<compile_context>
chip_gen: v7x
topology: tpu7x:2x2x1
jax: 0.10.2.dev20260603
libtpu: 0.0.44.dev20260713+nightly
codegen_flags: <defaults>
</compile_context>

<pallas_src>
import functools

import jax
import jax.numpy as jnp
from jax import lax
from jax.experimental import pallas as pl
from jax.experimental.pallas import tpu as pltpu
from jax.experimental.pallas import tpu_sc as plsc

_NUM_CORES = 2
_NUM_SUBCORES = 16
_NUM_WORKERS = _NUM_CORES * _NUM_SUBCORES


def kernel(team_ID, table):
    (batch,) = team_ID.shape
    vocab, dim = table.shape
    assert batch % (_NUM_WORKERS * 16) == 0
    b_per_w = batch // _NUM_WORKERS
    half = b_per_w // 2

    idx = team_ID.astype(jnp.int32).reshape(1, batch)

    mesh = plsc.VectorSubcoreMesh(core_axis_name="c", subcore_axis_name="s")

    @functools.partial(
        pl.kernel,
        mesh=mesh,
        out_type=jax.ShapeDtypeStruct((batch, dim), table.dtype),
        compiler_params=pltpu.CompilerParams(disable_bounds_checks=True),
        scratch_types=[
            pltpu.VMEM((1, b_per_w), jnp.int32),
            pltpu.VMEM((half, dim), jnp.float32),
            pltpu.VMEM_SHARED((_NUM_SUBCORES, half, dim), jnp.float32),
            pltpu.SemaphoreType.DMA,
            pltpu.SemaphoreType.DMA,
        ],
    )
    def gather_kernel(idx_hbm, table_hbm, out_hbm, idx_v, rows_v, rows_sh,
                      sem_a, sem_b):
        wid = lax.axis_index("s") * _NUM_CORES + lax.axis_index("c")
        sid = lax.axis_index("s")
        base = wid * b_per_w
        pltpu.sync_copy(idx_hbm.at[:, pl.ds(base, b_per_w)], idx_v)

        @plsc.parallel_loop(0, half, step=16)
        def _(i):
            v = idx_v[0, pl.ds(i, 16)]
            for j in range(16):
                pltpu.async_copy(
                    table_hbm.at[pl.ds(v[j], 1)],
                    rows_v.at[pl.ds(i + j, 1)],
                    sem_a,
                )

        @plsc.parallel_loop(half, b_per_w, step=16)
        def _(i):
            v = idx_v[0, pl.ds(i, 16)]
            for j in range(16):
                pltpu.async_copy(
                    table_hbm.at[pl.ds(v[j], 1)],
                    rows_sh.at[sid, pl.ds(i - half + j, 1)],
                    sem_b,
                )

        pltpu.make_async_copy(
            table_hbm.at[pl.ds(0, half)], rows_v, sem_a
        ).wait()
        pltpu.sync_copy(rows_v, out_hbm.at[pl.ds(base, half)])
        pltpu.make_async_copy(
            table_hbm.at[pl.ds(0, half)], rows_sh.at[sid], sem_b
        ).wait()
        pltpu.sync_copy(rows_sh.at[sid], out_hbm.at[pl.ds(base + half, half)])

    return gather_kernel(idx, table)

# --- scband reference (transcript-rebuilt; emitter-appended) ---
"""Pipeline reference for scband-team-encoder-78357383348484 (READ-ONLY COPY).

The authoritative reference and input builder live on the scoring server;
editing this copy changes nothing except your own understanding.
"""

import jax, jax.numpy as jnp
import numpy as np

VOCAB = 1000000
EMBED_DIM = 32
BATCH = 16384

def setup_inputs(seed: int = 0) -> dict:
    key = jax.random.key(seed)
    k_idx, k_tab = jax.random.split(key)
    team_ID = jax.random.randint(k_idx, (BATCH,), 0, VOCAB, dtype=jnp.int64 if jax.config.jax_enable_x64 else jnp.int32)
    table = jax.random.normal(k_tab, (VOCAB, EMBED_DIM), dtype=jnp.float32) * 0.05
    return {"team_ID": team_ID, "table": table}

def reference(team_ID, table):
    # tf.keras.layers.Embedding lookup: table[indices]
    embed = jnp.take(table, team_ID, axis=0)
    return embed

if __name__ == "__main__":
    import jax
    _d = setup_inputs()
    print(jax.jit(kernel)(*tuple(_d.values())))

</pallas_src>

<mosaic_0001>
#map = affine_map<(d0, d1) -> (0, 0)>
module attributes {stable_mosaic.version = 14 : i64} {
  func.func @gather_kernel(%arg0: i32, %arg1: i32, %arg2: memref<1x16384xi32, #tpu.memory_space<hbm>>, %arg3: memref<1000000x32xf32, #tpu.memory_space<hbm>>, %arg4: memref<16384x32xf32, #tpu.memory_space<hbm>>, %arg5: memref<1x512xi32, #tpu.memory_space<vmem>>, %arg6: memref<256x32xf32, #tpu.memory_space<vmem>>, %arg7: memref<16x256x32xf32, #tpu.memory_space<vmem_shared>>, %arg8: memref<!tpu.dma_semaphore, #tpu.memory_space<semaphore_mem>>, %arg9: memref<!tpu.dma_semaphore, #tpu.memory_space<semaphore_mem>>) attributes {dimension_semantics = [#tpu.dimension_semantics<core_parallel>, #tpu.dimension_semantics<subcore_parallel>], iteration_bounds = array<i64: 2, 16>, scalar_prefetch = 0 : i64, scratch_operands = 5 : i64, tpu.core_type = #tpu.core_type<sc_vector_subcore>, window_params = [{transform_indices = #map}, {transform_indices = #map}, {transform_indices = #map}]} {
    %mul3A = arith.constant 2 : i32
    %mul3A_0 = arith.muli %arg1, %mul3A : i32
    %add3A = arith.addi %mul3A_0, %arg0 : i32
    %mul3A_1 = arith.constant 512 : i32
    %mul3A_2 = arith.muli %add3A, %mul3A_1 : i32
    "tpu.region"() ({
      %run_scoped3A = tpu.sem_alloc : memref<!tpu.dma_semaphore, #tpu.memory_space<semaphore_mem>>
      %dma_start3A = arith.constant 0 : i32
      %dma_start3A_22 = tpu.memref_slice %arg2[%dma_start3A, %mul3A_2] : memref<1x16384xi32, #tpu.memory_space<hbm>> -> memref<1x512xi32, #tpu.memory_space<hbm>>
      %dma_start3A_23 = arith.constant 0 : i32
      %dma_start3A_24 = tpu.memref_slice %arg2[%dma_start3A_23, %mul3A_2] : memref<1x16384xi32, #tpu.memory_space<hbm>> -> memref<1x512xi32, #tpu.memory_space<hbm>>
      tpu.enqueue_dma source(%dma_start3A_24 : memref<1x512xi32, #tpu.memory_space<hbm>>) target(%arg5 : memref<1x512xi32, #tpu.memory_space<vmem>>) target_semaphore(%run_scoped3A : memref<!tpu.dma_semaphore, #tpu.memory_space<semaphore_mem>>)
      %dma_wait3A_25 = arith.constant 0 : i32
      %dma_wait3A_26 = tpu.memref_slice %arg2[%dma_wait3A_25, %mul3A_2] : memref<1x16384xi32, #tpu.memory_space<hbm>> -> memref<1x512xi32, #tpu.memory_space<hbm>>
      %dma_wait3A_27 = arith.constant 0 : i32
      %dma_wait3A_28 = tpu.memref_slice %arg2[%dma_wait3A_27, %mul3A_2] : memref<1x16384xi32, #tpu.memory_space<hbm>> -> memref<1x512xi32, #tpu.memory_space<hbm>>
      tpu.wait_dma2 semaphore(%run_scoped3A : memref<!tpu.dma_semaphore, #tpu.memory_space<semaphore_mem>>) src(%dma_wait3A_28 : memref<1x512xi32, #tpu.memory_space<hbm>>) dst(%arg5 : memref<1x512xi32, #tpu.memory_space<vmem>>)
      tpu.yield
    }) : () -> ()
    %parallel_loop3A = arith.constant 0 : i32
    %parallel_loop3A_3 = arith.constant 256 : i32
    %parallel_loop3A_4 = arith.constant 16 : i32
    scf.for %parallel_loop3A_22 = %parallel_loop3A to %parallel_loop3A_3 step %parallel_loop3A_4  : i32 {
      %parallel_loop3A_23 = arith.constant 0 : i32
      %parallel_loop3A_24 = arith.index_cast %parallel_loop3A_23 : i32 to index
      %parallel_loop3A_25 = arith.index_cast %parallel_loop3A_22 : i32 to index
      %parallel_loop3A_26 = tpu.vector_load %arg5[%parallel_loop3A_24, %parallel_loop3A_25] {strides = array<i32>} : memref<1x512xi32, #tpu.memory_space<vmem>>, vector<1x16xi32>,
      %parallel_loop3A_27 = vector.shape_cast %parallel_loop3A_26 : vector<1x16xi32> to vector<16xi32>
      %parallel_loop3A_28 = vector.extract_strided_slice %parallel_loop3A_27 {offsets = [0], sizes = [1], strides = [1]} : vector<16xi32> to vector<1xi32>
      %parallel_loop3A_29 = vector.extract %parallel_loop3A_28[0] : i32 from vector<1xi32>
      %parallel_loop3A_30 = arith.constant 0 : i32
      %parallel_loop3A_31 = arith.addi %parallel_loop3A_22, %parallel_loop3A_30 : i32
      %parallel_loop3A_32 = arith.constant 0 : i32
      %parallel_loop3A_33 = tpu.memref_slice %arg6[%parallel_loop3A_31, %parallel_loop3A_32] : memref<256x32xf32, #tpu.memory_space<vmem>> -> memref<1x32xf32, #tpu.memory_space<vmem>>
      %parallel_loop3A_34 = arith.constant 0 : i32
      %parallel_loop3A_35 = tpu.memref_slice %arg3[%parallel_loop3A_29, %parallel_loop3A_34] : memref<1000000x32xf32, #tpu.memory_space<hbm>> -> memref<1x32xf32, #tpu.memory_space<hbm>>
      %parallel_loop3A_36 = arith.constant 0 : i32
      %parallel_loop3A_37 = tpu.memref_slice %arg6[%parallel_loop3A_31, %parallel_loop3A_36] : memref<256x32xf32, #tpu.memory_space<vmem>> -> memref<1x32xf32, #tpu.memory_space<vmem>>
      %parallel_loop3A_38 = arith.constant 0 : i32
      %parallel_loop3A_39 = tpu.memref_slice %arg3[%parallel_loop3A_29, %parallel_loop3A_38] : memref<1000000x32xf32, #tpu.memory_space<hbm>> -> memref<1x32xf32, #tpu.memory_space<hbm>>
      tpu.enqueue_dma source(%parallel_loop3A_39 : memref<1x32xf32, #tpu.memory_space<hbm>>) target(%parallel_loop3A_37 : memref<1x32xf32, #tpu.memory_space<vmem>>) target_semaphore(%arg8 : memref<!tpu.dma_semaphore, #tpu.memory_space<semaphore_mem>>)
      %parallel_loop3A_40 = vector.extract_strided_slice %parallel_loop3A_27 {offsets = [1], sizes = [1], strides = [1]} : vector<16xi32> to vector<1xi32>
      %parallel_loop3A_41 = vector.extract %parallel_loop3A_40[0] : i32 from vector<1xi32>
      %parallel_loop3A_42 = arith.constant 1 : i32
      %parallel_loop3A_43 = arith.addi %parallel_loop3A_22, %parallel_loop3A_42 : i32
      %parallel_loop3A_44 = arith.constant 0 : i32
      %parallel_loop3A_45 = tpu.memref_slice %arg6[%parallel_loop3A_43, %parallel_loop3A_44] : memref<256x32xf32, #tpu.memory_space<vmem>> -> memref<1x32xf32, #tpu.memory_space<vmem>>
      %parallel_loop3A_46 = arith.constant 0 : i32
      %parallel_loop3A_47 = tpu.memref_slice %arg3[%parallel_loop3A_41, %parallel_loop3A_46] : memref<1000000x32xf32, #tpu.memory_space<hbm>> -> memref<1x32xf32, #tpu.memory_space<hbm>>
      %parallel_loop3A_48 = arith.constant 0 : i32
      %parallel_loop3A_49 = tpu.memref_slice %arg6[%parallel_loop3A_43, %parallel_loop3A_48] : memref<256x32xf32, #tpu.memory_space<vmem>> -> memref<1x32xf32, #tpu.memory_space<vmem>>
      %parallel_loop3A_50 = arith.constant 0 : i32
      %parallel_loop3A_51 = tpu.memref_slice %arg3[%parallel_loop3A_41, %parallel_loop3A_50] : memref<1000000x32xf32, #tpu.memory_space<hbm>> -> memref<1x32xf32, #tpu.memory_space<hbm>>
      tpu.enqueue_dma source(%parallel_loop3A_51 : memref<1x32xf32, #tpu.memory_space<hbm>>) target(%parallel_loop3A_49 : memref<1x32xf32, #tpu.memory_space<vmem>>) target_semaphore(%arg8 : memref<!tpu.dma_semaphore, #tpu.memory_space<semaphore_mem>>)
      %parallel_loop3A_52 = vector.extract_strided_slice %parallel_loop3A_27 {offsets = [2], sizes = [1], strides = [1]} : vector<16xi32> to vector<1xi32>
      %parallel_loop3A_53 = vector.extract %parallel_loop3A_52[0] : i32 from vector<1xi32>
      %parallel_loop3A_54 = arith.constant 2 : i32
      %parallel_loop3A_55 = arith.addi %parallel_loop3A_22, %parallel_loop3A_54 : i32
      %parallel_loop3A_56 = arith.constant 0 : i32
      %parallel_loop3A_57 = tpu.memref_slice %arg6[%parallel_loop3A_55, %parallel_loop3A_56] : memref<256x32xf32, #tpu.memory_space<vmem>> -> memref<1x32xf32, #tpu.memory_space<vmem>>
      %parallel_loop3A_58 = arith.constant 0 : i32
      %parallel_loop3A_59 = tpu.memref_slice %arg3[%parallel_loop3A_53, %parallel_loop3A_58] : memref<1000000x32xf32, #tpu.memory_space<hbm>> -> memref<1x32xf32, #tpu.memory_space<hbm>>
      %parallel_loop3A_60 = arith.constant 0 : i32
      %parallel_loop3A_61 = tpu.memref_slice %arg6[%parallel_loop3A_55, %parallel_loop3A_60] : memref<256x32xf32, #tpu.memory_space<vmem>> -> memref<1x32xf32, #tpu.memory_space<vmem>>
      %parallel_loop3A_62 = arith.constant 0 : i32
      %parallel_loop3A_63 = tpu.memref_slice %arg3[%parallel_loop3A_53, %parallel_loop3A_62] : memref<1000000x32xf32, #tpu.memory_space<hbm>> -> memref<1x32xf32, #tpu.memory_space<hbm>>
      tpu.enqueue_dma source(%parallel_loop3A_63 : memref<1x32xf32, #tpu.memory_space<hbm>>) target(%parallel_loop3A_61 : memref<1x32xf32, #tpu.memory_space<vmem>>) target_semaphore(%arg8 : memref<!tpu.dma_semaphore, #tpu.memory_space<semaphore_mem>>)
      %parallel_loop3A_64 = vector.extract_strided_slice %parallel_loop3A_27 {offsets = [3], sizes = [1], strides = [1]} : vector<16xi32> to vector<1xi32>
      %parallel_loop3A_65 = vector.extract %parallel_loop3A_64[0] : i32 from vector<1xi32>
      %parallel_loop3A_66 = arith.constant 3 : i32
      %parallel_loop3A_67 = arith.addi %parallel_loop3A_22, %parallel_loop3A_66 : i32
      %parallel_loop3A_68 = arith.constant 0 : i32
      %parallel_loop3A_69 = tpu.memref_slice %arg6[%parallel_loop3A_67, %parallel_loop3A_68] : memref<256x32xf32, #tpu.memory_space<vmem>> -> memref<1x32xf32, #tpu.memory_space<vmem>>
      %parallel_loop3A_70 = arith.constant 0 : i32
      %parallel_loop3A_71 = tpu.memref_slice %arg3[%parallel_loop3A_65, %parallel_loop3A_70] : memref<1000000x32xf32, #tpu.memory_space<hbm>> -> memref<1x32xf32, #tpu.memory_space<hbm>>
      %parallel_loop3A_72 = arith.constant 0 : i32
      %parallel_loop3A_73 = tpu.memref_slice %arg6[%parallel_loop3A_67, %parallel_loop3A_72] : memref<256x32xf32, #tpu.memory_space<vmem>> -> memref<1x32xf32, #tpu.memory_space<vmem>>
      %parallel_loop3A_74 = arith.constant 0 : i32
      %parallel_loop3A_75 = tpu.memref_slice %arg3[%parallel_loop3A_65, %parallel_loop3A_74] : memref<1000000x32xf32, #tpu.memory_space<hbm>> -> memref<1x32xf32, #tpu.memory_space<hbm>>
      tpu.enqueue_dma source(%parallel_loop3A_75 : memref<1x32xf32, #tpu.memory_space<hbm>>) target(%parallel_loop3A_73 : memref<1x32xf32, #tpu.memory_space<vmem>>) target_semaphore(%arg8 : memref<!tpu.dma_semaphore, #tpu.memory_space<semaphore_mem>>)
      %parallel_loop3A_76 = vector.extract_strided_slice %parallel_loop3A_27 {offsets = [4], sizes = [1], strides = [1]} : vector<16xi32> to vector<1xi32>
      %parallel_loop3A_77 = vector.extract %parallel_loop3A_76[0] : i32 from vector<1xi32>
      %parallel_loop3A_78 = arith.constant 4 : i32
      %parallel_loop3A_79 = arith.addi %parallel_loop3A_22, %parallel_loop3A_78 : i32
      %parallel_loop3A_80 = arith.constant 0 : i32
      %parallel_loop3A_81 = tpu.memref_slice %arg6[%parallel_loop3A_79, %parallel_loop3A_80] : memref<256x32xf32, #tpu.memory_space<vmem>> -> memref<1x32xf32, #tpu.memory_space<vmem>>
      %parallel_loop3A_82 = arith.constant 0 : i32
      %parallel_loop3A_83 = tpu.memref_slice %arg3[%parallel_loop3A_77, %parallel_loop3A_82] : memref<1000000x32xf32, #tpu.memory_space<hbm>> -> memref<1x32xf32, #tpu.memory_space<hbm>>
      %parallel_loop3A_84 = arith.constant 0 : i32
      %parallel_loop3A_85 = tpu.memref_slice %arg6[%parallel_loop3A_79, %parallel_loop3A_84] : memref<256x32xf32, #tpu.memory_space<vmem>> -> memref<1x32xf32, #tpu.memory_space<vmem>>
      %parallel_loop3A_86 = arith.constant 0 : i32
      %parallel_loop3A_87 = tpu.memref_slice %arg3[%parallel_loop3A_77, %parallel_loop3A_86] : memref<1000000x32xf32, #tpu.memory_space<hbm>> -> memref<1x32xf32, #tpu.memory_space<hbm>>
      tpu.enqueue_dma source(%parallel_loop3A_87 : memref<1x32xf32, #tpu.memory_space<hbm>>) target(%parallel_loop3A_85 : memref<1x32xf32, #tpu.memory_space<vmem>>) target_semaphore(%arg8 : memref<!tpu.dma_semaphore, #tpu.memory_space<semaphore_mem>>)
      %parallel_loop3A_88 = vector.extract_strided_slice %parallel_loop3A_27 {offsets = [5], sizes = [1], strides = [1]} : vector<16xi32> to vector<1xi32>
      %parallel_loop3A_89 = vector.extract %parallel_loop3A_88[0] : i32 from vector<1xi32>
      %parallel_loop3A_90 = arith.constant 5 : i32
      %parallel_loop3A_91 = arith.addi %parallel_loop3A_22, %parallel_loop3A_90 : i32
      %parallel_loop3A_92 = arith.constant 0 : i32
      %parallel_loop3A_93 = tpu.memref_slice %arg6[%parallel_loop3A_91, %parallel_loop3A_92] : memref<256x32xf32, #tpu.memory_space<vmem>> -> memref<1x32xf32, #tpu.memory_space<vmem>>
      %parallel_loop3A_94 = arith.constant 0 : i32
      %parallel_loop3A_95 = tpu.memref_slice %arg3[%parallel_loop3A_89, %parallel_loop3A_94] : memref<1000000x32xf32, #tpu.memory_space<hbm>> -> memref<1x32xf32, #tpu.memory_space<hbm>>
      %parallel_loop3A_96 = arith.constant 0 : i32
      %parallel_loop3A_97 = tpu.memref_slice %arg6[%parallel_loop3A_91, %parallel_loop3A_96] : memref<256x32xf32, #tpu.memory_space<vmem>> -> memref<1x32xf32, #tpu.memory_space<vmem>>
      %parallel_loop3A_98 = arith.constant 0 : i32
      %parallel_loop3A_99 = tpu.memref_slice %arg3[%parallel_loop3A_89, %parallel_loop3A_98] : memref<1000000x32xf32, #tpu.memory_space<hbm>> -> memref<1x32xf32, #tpu.memory_space<hbm>>
      tpu.enqueue_dma source(%parallel_loop3A_99 : memref<1x32xf32, #tpu.memory_space<hbm>>) target(%parallel_loop3A_97 : memref<1x32xf32, #tpu.memory_space<vmem>>) target_semaphore(%arg8 : memref<!tpu.dma_semaphore, #tpu.memory_space<semaphore_mem>>)
      %parallel_loop3A_100 = vector.extract_strided_slice %parallel_loop3A_27 {offsets = [6], sizes = [1], strides = [1]} : vector<16xi32> to vector<1xi32>
      %parallel_loop3A_101 = vector.extract %parallel_loop3A_100[0] : i32 from vector<1xi32>
      %parallel_loop3A_102 = arith.constant 6 : i32
      %parallel_loop3A_103 = arith.addi %parallel_loop3A_22, %parallel_loop3A_102 : i32
      %parallel_loop3A_104 = arith.constant 0 : i32
      %parallel_loop3A_105 = tpu.memref_slice %arg6[%parallel_loop3A_103, %parallel_loop3A_104] : memref<256x32xf32, #tpu.memory_space<vmem>> -> memref<1x32xf32, #tpu.memory_space<vmem>>
      %parallel_loop3A_106 = arith.constant 0 : i32
      %parallel_loop3A_107 = tpu.memref_slice %arg3[%parallel_loop3A_101, %parallel_loop3A_106] : memref<1000000x32xf32, #tpu.memory_space<hbm>> -> memref<1x32xf32, #tpu.memory_space<hbm>>
      %parallel_loop3A_108 = arith.constant 0 : i32
      %parallel_loop3A_109 = tpu.memref_slice %arg6[%parallel_loop3A_103, %parallel_loop3A_108] : memref<256x32xf32, #tpu.memory_space<vmem>> -> memref<1x32xf32, #tpu.memory_space<vmem>>
      %parallel_loop3A_110 = arith.constant 0 : i32
      %parallel_loop3A_111 = tpu.memref_slice %arg3[%parallel_loop3A_101, %parallel_loop3A_110] : memref<1000000x32xf32, #tpu.memory_space<hbm>> -> memref<1x32xf32, #tpu.memory_space<hbm>>
      tpu.enqueue_dma source(%parallel_loop3A_111 : memref<1x32xf32, #tpu.memory_space<hbm>>) target(%parallel_loop3A_109 : memref<1x32xf32, #tpu.memory_space<vmem>>) target_semaphore(%arg8 : memref<!tpu.dma_semaphore, #tpu.memory_space<semaphore_mem>>)
      %parallel_loop3A_112 = vector.extract_strided_slice %parallel_loop3A_27 {offsets = [7], sizes = [1], strides = [1]} : vector<16xi32> to vector<1xi32>
      %parallel_loop3A_113 = vector.extract %parallel_loop3A_112[0] : i32 from vector<1xi32>
      %parallel_loop3A_114 = arith.constant 7 : i32
      %parallel_loop3A_115 = arith.addi %parallel_loop3A_22, %parallel_loop3A_114 : i32
      %parallel_loop3A_116 = arith.constant 0 : i32
      %parallel_loop3A_117 = tpu.memref_slice %arg6[%parallel_loop3A_115, %parallel_loop3A_116] : memref<256x32xf32, #tpu.memory_space<vmem>> -> memref<1x32xf32, #tpu.memory_space<vmem>>
      %parallel_loop3A_118 = arith.constant 0 : i32
      %parallel_loop3A_119 = tpu.memref_slice %arg3[%parallel_loop3A_113, %parallel_loop3A_118] : memref<1000000x32xf32, #tpu.memory_space<hbm>> -> memref<1x32xf32, #tpu.memory_space<hbm>>
      %parallel_loop3A_120 = arith.constant 0 : i32
      %parallel_loop3A_121 = tpu.memref_slice %arg6[%parallel_loop3A_115, %parallel_loop3A_120] : memref<256x32xf32, #tpu.memory_space<vmem>> -> memref<1x32xf32, #tpu.memory_space<vmem>>
      %parallel_loop3A_122 = arith.constant 0 : i32
      %parallel_loop3A_123 = tpu.memref_slice %arg3[%parallel_loop3A_113, %parallel_loop3A_122] : memref<1000000x32xf32, #tpu.memory_space<hbm>> -> memref<1x32xf32, #tpu.memory_space<hbm>>
      tpu.enqueue_dma source(%parallel_loop3A_123 : memref<1x32xf32, #tpu.memory_space<hbm>>) target(%parallel_loop3A_121 : memref<1x32xf32, #tpu.memory_space<vmem>>) target_semaphore(%arg8 : memref<!tpu.dma_semaphore, #tpu.memory_space<semaphore_mem>>)
      %parallel_loop3A_124 = vector.extract_strided_slice %parallel_loop3A_27 {offsets = [8], sizes = [1], strides = [1]} : vector<16xi32> to vector<1xi32>
      %parallel_loop3A_125 = vector.extract %parallel_loop3A_124[0] : i32 from vector<1xi32>
      %parallel_loop3A_126 = arith.constant 8 : i32
      %parallel_loop3A_127 = arith.addi %parallel_loop3A_22, %parallel_loop3A_126 : i32
      %parallel_loop3A_128 = arith.constant 0 : i32
      %parallel_loop3A_129 = tpu.memref_slice %arg6[%parallel_loop3A_127, %parallel_loop3A_128] : memref<256x32xf32, #tpu.memory_space<vmem>> -> memref<1x32xf32, #tpu.memory_space<vmem>>
      %parallel_loop3A_130 = arith.constant 0 : i32
      %parallel_loop3A_131 = tpu.memref_slice %arg3[%parallel_loop3A_125, %parallel_loop3A_130] : memref<1000000x32xf32, #tpu.memory_space<hbm>> -> memref<1x32xf32, #tpu.memory_space<hbm>>
      %parallel_loop3A_132 = arith.constant 0 : i32
      %parallel_loop3A_133 = tpu.memref_slice %arg6[%parallel_loop3A_127, %parallel_loop3A_132] : memref<256x32xf32, #tpu.memory_space<vmem>> -> memref<1x32xf32, #tpu.memory_space<vmem>>
      %parallel_loop3A_134 = arith.constant 0 : i32
      %parallel_loop3A_135 = tpu.memref_slice %arg3[%parallel_loop3A_125, %parallel_loop3A_134] : memref<1000000x32xf32, #tpu.memory_space<hbm>> -> memref<1x32xf32, #tpu.memory_space<hbm>>
      tpu.enqueue_dma source(%parallel_loop3A_135 : memref<1x32xf32, #tpu.memory_space<hbm>>) target(%parallel_loop3A_133 : memref<1x32xf32, #tpu.memory_space<vmem>>) target_semaphore(%arg8 : memref<!tpu.dma_semaphore, #tpu.memory_space<semaphore_mem>>)
      %parallel_loop3A_136 = vector.extract_strided_slice %parallel_loop3A_27 {offsets = [9], sizes = [1], strides = [1]} : vector<16xi32> to vector<1xi32>
      %parallel_loop3A_137 = vector.extract %parallel_loop3A_136[0] : i32 from vector<1xi32>
      %parallel_loop3A_138 = arith.constant 9 : i32
      %parallel_loop3A_139 = arith.addi %parallel_loop3A_22, %parallel_loop3A_138 : i32
      %parallel_loop3A_140 = arith.constant 0 : i32
      %parallel_loop3A_141 = tpu.memref_slice %arg6[%parallel_loop3A_139, %parallel_loop3A_140] : memref<256x32xf32, #tpu.memory_space<vmem>> -> memref<1x32xf32, #tpu.memory_space<vmem>>
      %parallel_loop3A_142 = arith.constant 0 : i32
      %parallel_loop3A_143 = tpu.memref_slice %arg3[%parallel_loop3A_137, %parallel_loop3A_142] : memref<1000000x32xf32, #tpu.memory_space<hbm>> -> memref<1x32xf32, #tpu.memory_space<hbm>>
      %parallel_loop3A_144 = arith.constant 0 : i32
      %parallel_loop3A_145 = tpu.memref_slice %arg6[%parallel_loop3A_139, %parallel_loop3A_144] : memref<256x32xf32, #tpu.memory_space<vmem>> -> memref<1x32xf32, #tpu.memory_space<vmem>>
      %parallel_loop3A_146 = arith.constant 0 : i32
      %parallel_loop3A_147 = tpu.memref_slice %arg3[%parallel_loop3A_137, %parallel_loop3A_146] : memref<1000000x32xf32, #tpu.memory_space<hbm>> -> memref<1x32xf32, #tpu.memory_space<hbm>>
      tpu.enqueue_dma source(%parallel_loop3A_147 : memref<1x32xf32, #tpu.memory_space<hbm>>) target(%parallel_loop3A_145 : memref<1x32xf32, #tpu.memory_space<vmem>>) target_semaphore(%arg8 : memref<!tpu.dma_semaphore, #tpu.memory_space<semaphore_mem>>)
      %parallel_loop3A_148 = vector.extract_strided_slice %parallel_loop3A_27 {offsets = [10], sizes = [1], strides = [1]} : vector<16xi32> to vector<1xi32>
      %parallel_loop3A_149 = vector.extract %parallel_loop3A_148[0] : i32 from vector<1xi32>
      %parallel_loop3A_150 = arith.constant 10 : i32
      %parallel_loop3A_151 = arith.addi %parallel_loop3A_22, %parallel_loop3A_150 : i32
      %parallel_loop3A_152 = arith.constant 0 : i32
      %parallel_loop3A_153 = tpu.memref_slice %arg6[%parallel_loop3A_151, %parallel_loop3A_152] : memref<256x32xf32, #tpu.memory_space<vmem>> -> memref<1x32xf32, #tpu.memory_space<vmem>>
      %parallel_loop3A_154 = arith.constant 0 : i32
      %parallel_loop3A_155 = tpu.memref_slice %arg3[%parallel_loop3A_149, %parallel_loop3A_154] : memref<1000000x32xf32, #tpu.memory_space<hbm>> -> memref<1x32xf32, #tpu.memory_space<hbm>>
      %parallel_loop3A_156 = arith.constant 0 : i32
      %parallel_loop3A_157 = tpu.memref_slice %arg6[%parallel_loop3A_151, %parallel_loop3A_156] : memref<256x32xf32, #tpu.memory_space<vmem>> -> memref<1x32xf32, #tpu.memory_space<vmem>>
      %parallel_loop3A_158 = arith.constant 0 : i32
      %parallel_loop3A_159 = tpu.memref_slice %arg3[%parallel_loop3A_149, %parallel_loop3A_158] : memref<1000000x32xf32, #tpu.memory_space<hbm>> -> memref<1x32xf32, #tpu.memory_space<hbm>>
      tpu.enqueue_dma source(%parallel_loop3A_159 : memref<1x32xf32, #tpu.memory_space<hbm>>) target(%parallel_loop3A_157 : memref<1x32xf32, #tpu.memory_space<vmem>>) target_semaphore(%arg8 : memref<!tpu.dma_semaphore, #tpu.memory_space<semaphore_mem>>)
      %parallel_loop3A_160 = vector.extract_strided_slice %parallel_loop3A_27 {offsets = [11], sizes = [1], strides = [1]} : vector<16xi32> to vector<1xi32>
      %parallel_loop3A_161 = vector.extract %parallel_loop3A_160[0] : i32 from vector<1xi32>
      %parallel_loop3A_162 = arith.constant 11 : i32
      %parallel_loop3A_163 = arith.addi %parallel_loop3A_22, %parallel_loop3A_162 : i32
      %parallel_loop3A_164 = arith.constant 0 : i32
      %parallel_loop3A_165 = tpu.memref_slice %arg6[%parallel_loop3A_163, %parallel_loop3A_164] : memref<256x32xf32, #tpu.memory_space<vmem>> -> memref<1x32xf32, #tpu.memory_space<vmem>>
      %parallel_loop3A_166 = arith.constant 0 : i32
      %parallel_loop3A_167 = tpu.memref_slice %arg3[%parallel_loop3A_161, %parallel_loop3A_166] : memref<1000000x32xf32, #tpu.memory_space<hbm>> -> memref<1x32xf32, #tpu.memory_space<hbm>>
      %parallel_loop3A_168 = arith.constant 0 : i32
      %parallel_loop3A_169 = tpu.memref_slice %arg6[%parallel_loop3A_163, %parallel_loop3A_168] : memref<256x32xf32, #tpu.memory_space<vmem>> -> memref<1x32xf32, #tpu.memory_space<vmem>>
      %parallel_loop3A_170 = arith.constant 0 : i32
      %parallel_loop3A_171 = tpu.memref_slice %arg3[%parallel_loop3A_161, %parallel_loop3A_170] : memref<1000000x32xf32, #tpu.memory_space<hbm>> -> memref<1x32xf32, #tpu.memory_space<hbm>>
      tpu.enqueue_dma source(%parallel_loop3A_171 : memref<1x32xf32, #tpu.memory_space<hbm>>) target(%parallel_loop3A_169 : memref<1x32xf32, #tpu.memory_space<vmem>>) target_semaphore(%arg8 : memref<!tpu.dma_semaphore, #tpu.memory_space<semaphore_mem>>)
      %parallel_loop3A_172 = vector.extract_strided_slice %parallel_loop3A_27 {offsets = [12], sizes = [1], strides = [1]} : vector<16xi32> to vector<1xi32>
      %parallel_loop3A_173 = vector.extract %parallel_loop3A_172[0] : i32 from vector<1xi32>
      %parallel_loop3A_174 = arith.constant 12 : i32
      %parallel_loop3A_175 = arith.addi %parallel_loop3A_22, %parallel_loop3A_174 : i32
      %parallel_loop3A_176 = arith.constant 0 : i32
      %parallel_loop3A_177 = tpu.memref_slice %arg6[%parallel_loop3A_175, %parallel_loop3A_176] : memref<256x32xf32, #tpu.memory_space<vmem>> -> memref<1x32xf32, #tpu.memory_space<vmem>>
      %parallel_loop3A_178 = arith.constant 0 : i32
      %parallel_loop3A_179 = tpu.memref_slice %arg3[%parallel_loop3A_173, %parallel_loop3A_178] : memref<1000000x32xf32, #tpu.memory_space<hbm>> -> memref<1x32xf32, #tpu.memory_space<hbm>>
      %parallel_loop3A_180 = arith.constant 0 : i32
      %parallel_loop3A_181 = tpu.memref_slice %arg6[%parallel_loop3A_175, %parallel_loop3A_180] : memref<256x32xf32, #tpu.memory_space<vmem>> -> memref<1x32xf32, #tpu.memory_space<vmem>>
      %parallel_loop3A_182 = arith.constant 0 : i32
      %parallel_loop3A_183 = tpu.memref_slice %arg3[%parallel_loop3A_173, %parallel_loop3A_182] : memref<1000000x32xf32, #tpu.memory_space<hbm>> -> memref<1x32xf32, #tpu.memory_space<hbm>>
      tpu.enqueue_dma source(%parallel_loop3A_183 : memref<1x32xf32, #tpu.memory_space<hbm>>) target(%parallel_loop3A_181 : memref<1x32xf32, #tpu.memory_space<vmem>>) target_semaphore(%arg8 : memref<!tpu.dma_semaphore, #tpu.memory_space<semaphore_mem>>)
      %parallel_loop3A_184 = vector.extract_strided_slice %parallel_loop3A_27 {offsets = [13], sizes = [1], strides = [1]} : vector<16xi32> to vector<1xi32>
      %parallel_loop3A_185 = vector.extract %parallel_loop3A_184[0] : i32 from vector<1xi32>
      %parallel_loop3A_186 = arith.constant 13 : i32
      %parallel_loop3A_187 = arith.addi %parallel_loop3A_22, %parallel_loop3A_186 : i32
      %parallel_loop3A_188 = arith.constant 0 : i32
      %parallel_loop3A_189 = tpu.memref_slice %arg6[%parallel_loop3A_187, %parallel_loop3A_188] : memref<256x32xf32, #tpu.memory_space<vmem>> -> memref<1x32xf32, #tpu.memory_space<vmem>>
      %parallel_loop3A_190 = arith.constant 0 : i32
      %parallel_loop3A_191 = tpu.memref_slice %arg3[%parallel_loop3A_185, %parallel_loop3A_190] : memref<1000000x32xf32, #tpu.memory_space<hbm>> -> memref<1x32xf32, #tpu.memory_space<hbm>>
      %parallel_loop3A_192 = arith.constant 0 : i32
      %parallel_loop3A_193 = tpu.memref_slice %arg6[%parallel_loop3A_187, %parallel_loop3A_192] : memref<256x32xf32, #tpu.memory_space<vmem>> -> memref<1x32xf32, #tpu.memory_space<vmem>>
      %parallel_loop3A_194 = arith.constant 0 : i32
      %parallel_loop3A_195 = tpu.memref_slice %arg3[%parallel_loop3A_185, %parallel_loop3A_194] : memref<1000000x32xf32, #tpu.memory_space<hbm>> -> memref<1x32xf32, #tpu.memory_space<hbm>>
      tpu.enqueue_dma source(%parallel_loop3A_195 : memref<1x32xf32, #tpu.memory_space<hbm>>) target(%parallel_loop3A_193 : memref<1x32xf32, #tpu.memory_space<vmem>>) target_semaphore(%arg8 : memref<!tpu.dma_semaphore, #tpu.memory_space<semaphore_mem>>)
      %parallel_loop3A_196 = vector.extract_strided_slice %parallel_loop3A_27 {offsets = [14], sizes = [1], strides = [1]} : vector<16xi32> to vector<1xi32>
      %parallel_loop3A_197 = vector.extract %parallel_loop3A_196[0] : i32 from vector<1xi32>
      %parallel_loop3A_198 = arith.constant 14 : i32
      %parallel_loop3A_199 = arith.addi %parallel_loop3A_22, %parallel_loop3A_198 : i32
      %parallel_loop3A_200 = arith.constant 0 : i32
      %parallel_loop3A_201 = tpu.memref_slice %arg6[%parallel_loop3A_199, %parallel_loop3A_200] : memref<256x32xf32, #tpu.memory_space<vmem>> -> memref<1x32xf32, #tpu.memory_space<vmem>>
      %parallel_loop3A_202 = arith.constant 0 : i32
      %parallel_loop3A_203 = tpu.memref_slice %arg3[%parallel_loop3A_197, %parallel_loop3A_202] : memref<1000000x32xf32, #tpu.memory_space<hbm>> -> memref<1x32xf32, #tpu.memory_space<hbm>>
      %parallel_loop3A_204 = arith.constant 0 : i32
      %parallel_loop3A_205 = tpu.memref_slice %arg6[%parallel_loop3A_199, %parallel_loop3A_204] : memref<256x32xf32, #tpu.memory_space<vmem>> -> memref<1x32xf32, #tpu.memory_space<vmem>>
      %parallel_loop3A_206 = arith.constant 0 : i32
      %parallel_loop3A_207 = tpu.memref_slice %arg3[%parallel_loop3A_197, %parallel_loop3A_206] : memref<1000000x32xf32, #tpu.memory_space<hbm>> -> memref<1x32xf32, #tpu.memory_space<hbm>>
      tpu.enqueue_dma source(%parallel_loop3A_207 : memref<1x32xf32, #tpu.memory_space<hbm>>) target(%parallel_loop3A_205 : memref<1x32xf32, #tpu.memory_space<vmem>>) target_semaphore(%arg8 : memref<!tpu.dma_semaphore, #tpu.memory_space<semaphore_mem>>)
      %parallel_loop3A_208 = vector.extract_strided_slice %parallel_loop3A_27 {offsets = [15], sizes = [1], strides = [1]} : vector<16xi32> to vector<1xi32>
      %parallel_loop3A_209 = vector.extract %parallel_loop3A_208[0] : i32 from vector<1xi32>
      %parallel_loop3A_210 = arith.constant 15 : i32
      %parallel_loop3A_211 = arith.addi %parallel_loop3A_22, %parallel_loop3A_210 : i32
      %parallel_loop3A_212 = arith.constant 0 : i32
      %parallel_loop3A_213 = tpu.memref_slice %arg6[%parallel_loop3A_211, %parallel_loop3A_212] : memref<256x32xf32, #tpu.memory_space<vmem>> -> memref<1x32xf32, #tpu.memory_space<vmem>>
      %parallel_loop3A_214 = arith.constant 0 : i32
      %parallel_loop3A_215 = tpu.memref_slice %arg3[%parallel_loop3A_209, %parallel_loop3A_214] : memref<1000000x32xf32, #tpu.memory_space<hbm>> -> memref<1x32xf32, #tpu.memory_space<hbm>>
      %parallel_loop3A_216 = arith.constant 0 : i32
      %parallel_loop3A_217 = tpu.memref_slice %arg6[%parallel_loop3A_211, %parallel_loop3A_216] : memref<256x32xf32, #tpu.memory_space<vmem>> -> memref<1x32xf32, #tpu.memory_space<vmem>>
      %parallel_loop3A_218 = arith.constant 0 : i32
      %parallel_loop3A_219 = tpu.memref_slice %arg3[%parallel_loop3A_209, %parallel_loop3A_218] : memref<1000000x32xf32, #tpu.memory_space<hbm>> -> memref<1x32xf32, #tpu.memory_space<hbm>>
      tpu.enqueue_dma source(%parallel_loop3A_219 : memref<1x32xf32, #tpu.memory_space<hbm>>) target(%parallel_loop3A_217 : memref<1x32xf32, #tpu.memory_space<vmem>>) target_semaphore(%arg8 : memref<!tpu.dma_semaphore, #tpu.memory_space<semaphore_mem>>)
    } {sc.loop_unroll_factor = 1 : i64, sc.parallel_access}
    %parallel_loop3A_5 = arith.constant 256 : i32
    %parallel_loop3A_6 = arith.constant 512 : i32
    %parallel_loop3A_7 = arith.constant 16 : i32
    scf.for %parallel_loop3A_22 = %parallel_loop3A_5 to %parallel_loop3A_6 step %parallel_loop3A_7  : i32 {
      %parallel_loop3A_23 = arith.constant 0 : i32
      %parallel_loop3A_24 = arith.index_cast %parallel_loop3A_23 : i32 to index
      %parallel_loop3A_25 = arith.index_cast %parallel_loop3A_22 : i32 to index
      %parallel_loop3A_26 = tpu.vector_load %arg5[%parallel_loop3A_24, %parallel_loop3A_25] {strides = array<i32>} : memref<1x512xi32, #tpu.memory_space<vmem>>, vector<1x16xi32>,
      %parallel_loop3A_27 = vector.shape_cast %parallel_loop3A_26 : vector<1x16xi32> to vector<16xi32>
      %parallel_loop3A_28 = vector.extract_strided_slice %parallel_loop3A_27 {offsets = [0], sizes = [1], strides = [1]} : vector<16xi32> to vector<1xi32>
      %parallel_loop3A_29 = vector.extract %parallel_loop3A_28[0] : i32 from vector<1xi32>
      %parallel_loop3A_30 = arith.constant 256 : i32
      %parallel_loop3A_31 = arith.subi %parallel_loop3A_22, %parallel_loop3A_30 : i32
      %parallel_loop3A_32 = arith.constant 0 : i32
      %parallel_loop3A_33 = arith.addi %parallel_loop3A_31, %parallel_loop3A_32 : i32
      %parallel_loop3A_34 = arith.constant 0 : i32
      %parallel_loop3A_35 = tpu.memref_slice %arg7[%arg1, %parallel_loop3A_33, %parallel_loop3A_34] : memref<16x256x32xf32, #tpu.memory_space<vmem_shared>> -> memref<1x1x32xf32, #tpu.memory_space<vmem_shared>>
      %parallel_loop3A_36 = tpu.memref_squeeze %parallel_loop3A_35 : memref<1x1x32xf32, #tpu.memory_space<vmem_shared>> -> memref<1x32xf32, #tpu.memory_space<vmem_shared>>
      %parallel_loop3A_37 = arith.constant 0 : i32
      %parallel_loop3A_38 = tpu.memref_slice %arg3[%parallel_loop3A_29, %parallel_loop3A_37] : memref<1000000x32xf32, #tpu.memory_space<hbm>> -> memref<1x32xf32, #tpu.memory_space<hbm>>
      tpu.enqueue_dma source(%parallel_loop3A_38 : memref<1x32xf32, #tpu.memory_space<hbm>>) target(%parallel_loop3A_36 : memref<1x32xf32, #tpu.memory_space<vmem_shared>>) target_semaphore(%arg9 : memref<!tpu.dma_semaphore, #tpu.memory_space<semaphore_mem>>)
      %parallel_loop3A_39 = vector.extract_strided_slice %parallel_loop3A_27 {offsets = [1], sizes = [1], strides = [1]} : vector<16xi32> to vector<1xi32>
      %parallel_loop3A_40 = vector.extract %parallel_loop3A_39[0] : i32 from vector<1xi32>
      %parallel_loop3A_41 = arith.constant 256 : i32
      %parallel_loop3A_42 = arith.subi %parallel_loop3A_22, %parallel_loop3A_41 : i32
      %parallel_loop3A_43 = arith.constant 1 : i32
      %parallel_loop3A_44 = arith.addi %parallel_loop3A_42, %parallel_loop3A_43 : i32
      %parallel_loop3A_45 = arith.constant 0 : i32
      %parallel_loop3A_46 = tpu.memref_slice %arg7[%arg1, %parallel_loop3A_44, %parallel_loop3A_45] : memref<16x256x32xf32, #tpu.memory_space<vmem_shared>> -> memref<1x1x32xf32, #tpu.memory_space<vmem_shared>>
      %parallel_loop3A_47 = tpu.memref_squeeze %parallel_loop3A_46 : memref<1x1x32xf32, #tpu.memory_space<vmem_shared>> -> memref<1x32xf32, #tpu.memory_space<vmem_shared>>
      %parallel_loop3A_48 = arith.constant 0 : i32
      %parallel_loop3A_49 = tpu.memref_slice %arg3[%parallel_loop3A_40, %parallel_loop3A_48] : memref<1000000x32xf32, #tpu.memory_space<hbm>> -> memref<1x32xf32, #tpu.memory_space<hbm>>
      tpu.enqueue_dma source(%parallel_loop3A_49 : memref<1x32xf32, #tpu.memory_space<hbm>>) target(%parallel_loop3A_47 : memref<1x32xf32, #tpu.memory_space<vmem_shared>>) target_semaphore(%arg9 : memref<!tpu.dma_semaphore, #tpu.memory_space<semaphore_mem>>)
      %parallel_loop3A_50 = vector.extract_strided_slice %parallel_loop3A_27 {offsets = [2], sizes = [1], strides = [1]} : vector<16xi32> to vector<1xi32>
      %parallel_loop3A_51 = vector.extract %parallel_loop3A_50[0] : i32 from vector<1xi32>
      %parallel_loop3A_52 = arith.constant 256 : i32
      %parallel_loop3A_53 = arith.subi %parallel_loop3A_22, %parallel_loop3A_52 : i32
      %parallel_loop3A_54 = arith.constant 2 : i32
      %parallel_loop3A_55 = arith.addi %parallel_loop3A_53, %parallel_loop3A_54 : i32
      %parallel_loop3A_56 = arith.constant 0 : i32
      %parallel_loop3A_57 = tpu.memref_slice %arg7[%arg1, %parallel_loop3A_55, %parallel_loop3A_56] : memref<16x256x32xf32, #tpu.memory_space<vmem_shared>> -> memref<1x1x32xf32, #tpu.memory_space<vmem_shared>>
      %parallel_loop3A_58 = tpu.memref_squeeze %parallel_loop3A_57 : memref<1x1x32xf32, #tpu.memory_space<vmem_shared>> -> memref<1x32xf32, #tpu.memory_space<vmem_shared>>
      %parallel_loop3A_59 = arith.constant 0 : i32
      %parallel_loop3A_60 = tpu.memref_slice %arg3[%parallel_loop3A_51, %parallel_loop3A_59] : memref<1000000x32xf32, #tpu.memory_space<hbm>> -> memref<1x32xf32, #tpu.memory_space<hbm>>
      tpu.enqueue_dma source(%parallel_loop3A_60 : memref<1x32xf32, #tpu.memory_space<hbm>>) target(%parallel_loop3A_58 : memref<1x32xf32, #tpu.memory_space<vmem_shared>>) target_semaphore(%arg9 : memref<!tpu.dma_semaphore, #tpu.memory_space<semaphore_mem>>)
      %parallel_loop3A_61 = vector.extract_strided_slice %parallel_loop3A_27 {offsets = [3], sizes = [1], strides = [1]} : vector<16xi32> to vector<1xi32>
      %parallel_loop3A_62 = vector.extract %parallel_loop3A_61[0] : i32 from vector<1xi32>
      %parallel_loop3A_63 = arith.constant 256 : i32
      %parallel_loop3A_64 = arith.subi %parallel_loop3A_22, %parallel_loop3A_63 : i32
      %parallel_loop3A_65 = arith.constant 3 : i32
      %parallel_loop3A_66 = arith.addi %parallel_loop3A_64, %parallel_loop3A_65 : i32
      %parallel_loop3A_67 = arith.constant 0 : i32
      %parallel_loop3A_68 = tpu.memref_slice %arg7[%arg1, %parallel_loop3A_66, %parallel_loop3A_67] : memref<16x256x32xf32, #tpu.memory_space<vmem_shared>> -> memref<1x1x32xf32, #tpu.memory_space<vmem_shared>>
      %parallel_loop3A_69 = tpu.memref_squeeze %parallel_loop3A_68 : memref<1x1x32xf32, #tpu.memory_space<vmem_shared>> -> memref<1x32xf32, #tpu.memory_space<vmem_shared>>
      %parallel_loop3A_70 = arith.constant 0 : i32
      %parallel_loop3A_71 = tpu.memref_slice %arg3[%parallel_loop3A_62, %parallel_loop3A_70] : memref<1000000x32xf32, #tpu.memory_space<hbm>> -> memref<1x32xf32, #tpu.memory_space<hbm>>
      tpu.enqueue_dma source(%parallel_loop3A_71 : memref<1x32xf32, #tpu.memory_space<hbm>>) target(%parallel_loop3A_69 : memref<1x32xf32, #tpu.memory_space<vmem_shared>>) target_semaphore(%arg9 : memref<!tpu.dma_semaphore, #tpu.memory_space<semaphore_mem>>)
      %parallel_loop3A_72 = vector.extract_strided_slice %parallel_loop3A_27 {offsets = [4], sizes = [1], strides = [1]} : vector<16xi32> to vector<1xi32>
      %parallel_loop3A_73 = vector.extract %parallel_loop3A_72[0] : i32 from vector<1xi32>
      %parallel_loop3A_74 = arith.constant 256 : i32
      %parallel_loop3A_75 = arith.subi %parallel_loop3A_22, %parallel_loop3A_74 : i32
      %parallel_loop3A_76 = arith.constant 4 : i32
      %parallel_loop3A_77 = arith.addi %parallel_loop3A_75, %parallel_loop3A_76 : i32
      %parallel_loop3A_78 = arith.constant 0 : i32
      %parallel_loop3A_79 = tpu.memref_slice %arg7[%arg1, %parallel_loop3A_77, %parallel_loop3A_78] : memref<16x256x32xf32, #tpu.memory_space<vmem_shared>> -> memref<1x1x32xf32, #tpu.memory_space<vmem_shared>>
      %parallel_loop3A_80 = tpu.memref_squeeze %parallel_loop3A_79 : memref<1x1x32xf32, #tpu.memory_space<vmem_shared>> -> memref<1x32xf32, #tpu.memory_space<vmem_shared>>
      %parallel_loop3A_81 = arith.constant 0 : i32
      %parallel_loop3A_82 = tpu.memref_slice %arg3[%parallel_loop3A_73, %parallel_loop3A_81] : memref<1000000x32xf32, #tpu.memory_space<hbm>> -> memref<1x32xf32, #tpu.memory_space<hbm>>
      tpu.enqueue_dma source(%parallel_loop3A_82 : memref<1x32xf32, #tpu.memory_space<hbm>>) target(%parallel_loop3A_80 : memref<1x32xf32, #tpu.memory_space<vmem_shared>>) target_semaphore(%arg9 : memref<!tpu.dma_semaphore, #tpu.memory_space<semaphore_mem>>)
      %parallel_loop3A_83 = vector.extract_strided_slice %parallel_loop3A_27 {offsets = [5], sizes = [1], strides = [1]} : vector<16xi32> to vector<1xi32>
      %parallel_loop3A_84 = vector.extract %parallel_loop3A_83[0] : i32 from vector<1xi32>
      %parallel_loop3A_85 = arith.constant 256 : i32
      %parallel_loop3A_86 = arith.subi %parallel_loop3A_22, %parallel_loop3A_85 : i32
      %parallel_loop3A_87 = arith.constant 5 : i32
      %parallel_loop3A_88 = arith.addi %parallel_loop3A_86, %parallel_loop3A_87 : i32
      %parallel_loop3A_89 = arith.constant 0 : i32
      %parallel_loop3A_90 = tpu.memref_slice %arg7[%arg1, %parallel_loop3A_88, %parallel_loop3A_89] : memref<16x256x32xf32, #tpu.memory_space<vmem_shared>> -> memref<1x1x32xf32, #tpu.memory_space<vmem_shared>>
      %parallel_loop3A_91 = tpu.memref_squeeze %parallel_loop3A_90 : memref<1x1x32xf32, #tpu.memory_space<vmem_shared>> -> memref<1x32xf32, #tpu.memory_space<vmem_shared>>
      %parallel_loop3A_92 = arith.constant 0 : i32
      %parallel_loop3A_93 = tpu.memref_slice %arg3[%parallel_loop3A_84, %parallel_loop3A_92] : memref<1000000x32xf32, #tpu.memory_space<hbm>> -> memref<1x32xf32, #tpu.memory_space<hbm>>
      tpu.enqueue_dma source(%parallel_loop3A_93 : memref<1x32xf32, #tpu.memory_space<hbm>>) target(%parallel_loop3A_91 : memref<1x32xf32, #tpu.memory_space<vmem_shared>>) target_semaphore(%arg9 : memref<!tpu.dma_semaphore, #tpu.memory_space<semaphore_mem>>)
      %parallel_loop3A_94 = vector.extract_strided_slice %parallel_loop3A_27 {offsets = [6], sizes = [1], strides = [1]} : vector<16xi32> to vector<1xi32>
      %parallel_loop3A_95 = vector.extract %parallel_loop3A_94[0] : i32 from vector<1xi32>
      %parallel_loop3A_96 = arith.constant 256 : i32
      %parallel_loop3A_97 = arith.subi %parallel_loop3A_22, %parallel_loop3A_96 : i32
      %parallel_loop3A_98 = arith.constant 6 : i32
      %parallel_loop3A_99 = arith.addi %parallel_loop3A_97, %parallel_loop3A_98 : i32
      %parallel_loop3A_100 = arith.constant 0 : i32
      %parallel_loop3A_101 = tpu.memref_slice %arg7[%arg1, %parallel_loop3A_99, %parallel_loop3A_100] : memref<16x256x32xf32, #tpu.memory_space<vmem_shared>> -> memref<1x1x32xf32, #tpu.memory_space<vmem_shared>>
      %parallel_loop3A_102 = tpu.memref_squeeze %parallel_loop3A_101 : memref<1x1x32xf32, #tpu.memory_space<vmem_shared>> -> memref<1x32xf32, #tpu.memory_space<vmem_shared>>
      %parallel_loop3A_103 = arith.constant 0 : i32
      %parallel_loop3A_104 = tpu.memref_slice %arg3[%parallel_loop3A_95, %parallel_loop3A_103] : memref<1000000x32xf32, #tpu.memory_space<hbm>> -> memref<1x32xf32, #tpu.memory_space<hbm>>
      tpu.enqueue_dma source(%parallel_loop3A_104 : memref<1x32xf32, #tpu.memory_space<hbm>>) target(%parallel_loop3A_102 : memref<1x32xf32, #tpu.memory_space<vmem_shared>>) target_semaphore(%arg9 : memref<!tpu.dma_semaphore, #tpu.memory_space<semaphore_mem>>)
      %parallel_loop3A_105 = vector.extract_strided_slice %parallel_loop3A_27 {offsets = [7], sizes = [1], strides = [1]} : vector<16xi32> to vector<1xi32>
      %parallel_loop3A_106 = vector.extract %parallel_loop3A_105[0] : i32 from vector<1xi32>
      %parallel_loop3A_107 = arith.constant 256 : i32
      %parallel_loop3A_108 = arith.subi %parallel_loop3A_22, %parallel_loop3A_107 : i32
      %parallel_loop3A_109 = arith.constant 7 : i32
      %parallel_loop3A_110 = arith.addi %parallel_loop3A_108, %parallel_loop3A_109 : i32
      %parallel_loop3A_111 = arith.constant 0 : i32
      %parallel_loop3A_112 = tpu.memref_slice %arg7[%arg1, %parallel_loop3A_110, %parallel_loop3A_111] : memref<16x256x32xf32, #tpu.memory_space<vmem_shared>> -> memref<1x1x32xf32, #tpu.memory_space<vmem_shared>>
      %parallel_loop3A_113 = tpu.memref_squeeze %parallel_loop3A_112 : memref<1x1x32xf32, #tpu.memory_space<vmem_shared>> -> memref<1x32xf32, #tpu.memory_space<vmem_shared>>
      %parallel_loop3A_114 = arith.constant 0 : i32
      %parallel_loop3A_115 = tpu.memref_slice %arg3[%parallel_loop3A_106, %parallel_loop3A_114] : memref<1000000x32xf32, #tpu.memory_space<hbm>> -> memref<1x32xf32, #tpu.memory_space<hbm>>
      tpu.enqueue_dma source(%parallel_loop3A_115 : memref<1x32xf32, #tpu.memory_space<hbm>>) target(%parallel_loop3A_113 : memref<1x32xf32, #tpu.memory_space<vmem_shared>>) target_semaphore(%arg9 : memref<!tpu.dma_semaphore, #tpu.memory_space<semaphore_mem>>)
      %parallel_loop3A_116 = vector.extract_strided_slice %parallel_loop3A_27 {offsets = [8], sizes = [1], strides = [1]} : vector<16xi32> to vector<1xi32>
      %parallel_loop3A_117 = vector.extract %parallel_loop3A_116[0] : i32 from vector<1xi32>
      %parallel_loop3A_118 = arith.constant 256 : i32
      %parallel_loop3A_119 = arith.subi %parallel_loop3A_22, %parallel_loop3A_118 : i32
      %parallel_loop3A_120 = arith.constant 8 : i32
      %parallel_loop3A_121 = arith.addi %parallel_loop3A_119, %parallel_loop3A_120 : i32
      %parallel_loop3A_122 = arith.constant 0 : i32
      %parallel_loop3A_123 = tpu.memref_slice %arg7[%arg1, %parallel_loop3A_121, %parallel_loop3A_122] : memref<16x256x32xf32, #tpu.memory_space<vmem_shared>> -> memref<1x1x32xf32, #tpu.memory_space<vmem_shared>>
      %parallel_loop3A_124 = tpu.memref_squeeze %parallel_loop3A_123 : memref<1x1x32xf32, #tpu.memory_space<vmem_shared>> -> memref<1x32xf32, #tpu.memory_space<vmem_shared>>
      %parallel_loop3A_125 = arith.constant 0 : i32
      %parallel_loop3A_126 = tpu.memref_slice %arg3[%parallel_loop3A_117, %parallel_loop3A_125] : memref<1000000x32xf32, #tpu.memory_space<hbm>> -> memref<1x32xf32, #tpu.memory_space<hbm>>
      tpu.enqueue_dma source(%parallel_loop3A_126 : memref<1x32xf32, #tpu.memory_space<hbm>>) target(%parallel_loop3A_124 : memref<1x32xf32, #tpu.memory_space<vmem_shared>>) target_semaphore(%arg9 : memref<!tpu.dma_semaphore, #tpu.memory_space<semaphore_mem>>)
      %parallel_loop3A_127 = vector.extract_strided_slice %parallel_loop3A_27 {offsets = [9], sizes = [1], strides = [1]} : vector<16xi32> to vector<1xi32>
      %parallel_loop3A_128 = vector.extract %parallel_loop3A_127[0] : i32 from vector<1xi32>
      %parallel_loop3A_129 = arith.constant 256 : i32
      %parallel_loop3A_130 = arith.subi %parallel_loop3A_22, %parallel_loop3A_129 : i32
      %parallel_loop3A_131 = arith.constant 9 : i32
      %parallel_loop3A_132 = arith.addi %parallel_loop3A_130, %parallel_loop3A_131 : i32
      %parallel_loop3A_133 = arith.constant 0 : i32
      %parallel_loop3A_134 = tpu.memref_slice %arg7[%arg1, %parallel_loop3A_132, %parallel_loop3A_133] : memref<16x256x32xf32, #tpu.memory_space<vmem_shared>> -> memref<1x1x32xf32, #tpu.memory_space<vmem_shared>>
      %parallel_loop3A_135 = tpu.memref_squeeze %parallel_loop3A_134 : memref<1x1x32xf32, #tpu.memory_space<vmem_shared>> -> memref<1x32xf32, #tpu.memory_space<vmem_shared>>
      %parallel_loop3A_136 = arith.constant 0 : i32
      %parallel_loop3A_137 = tpu.memref_slice %arg3[%parallel_loop3A_128, %parallel_loop3A_136] : memref<1000000x32xf32, #tpu.memory_space<hbm>> -> memref<1x32xf32, #tpu.memory_space<hbm>>
      tpu.enqueue_dma source(%parallel_loop3A_137 : memref<1x32xf32, #tpu.memory_space<hbm>>) target(%parallel_loop3A_135 : memref<1x32xf32, #tpu.memory_space<vmem_shared>>) target_semaphore(%arg9 : memref<!tpu.dma_semaphore, #tpu.memory_space<semaphore_mem>>)
      %parallel_loop3A_138 = vector.extract_strided_slice %parallel_loop3A_27 {offsets = [10], sizes = [1], strides = [1]} : vector<16xi32> to vector<1xi32>
      %parallel_loop3A_139 = vector.extract %parallel_loop3A_138[0] : i32 from vector<1xi32>
      %parallel_loop3A_140 = arith.constant 256 : i32
      %parallel_loop3A_141 = arith.subi %parallel_loop3A_22, %parallel_loop3A_140 : i32
      %parallel_loop3A_142 = arith.constant 10 : i32
      %parallel_loop3A_143 = arith.addi %parallel_loop3A_141, %parallel_loop3A_142 : i32
      %parallel_loop3A_144 = arith.constant 0 : i32
      %parallel_loop3A_145 = tpu.memref_slice %arg7[%arg1, %parallel_loop3A_143, %parallel_loop3A_144] : memref<16x256x32xf32, #tpu.memory_space<vmem_shared>> -> memref<1x1x32xf32, #tpu.memory_space<vmem_shared>>
      %parallel_loop3A_146 = tpu.memref_squeeze %parallel_loop3A_145 : memref<1x1x32xf32, #tpu.memory_space<vmem_shared>> -> memref<1x32xf32, #tpu.memory_space<vmem_shared>>
      %parallel_loop3A_147 = arith.constant 0 : i32
      %parallel_loop3A_148 = tpu.memref_slice %arg3[%parallel_loop3A_139, %parallel_loop3A_147] : memref<1000000x32xf32, #tpu.memory_space<hbm>> -> memref<1x32xf32, #tpu.memory_space<hbm>>
      tpu.enqueue_dma source(%parallel_loop3A_148 : memref<1x32xf32, #tpu.memory_space<hbm>>) target(%parallel_loop3A_146 : memref<1x32xf32, #tpu.memory_space<vmem_shared>>) target_semaphore(%arg9 : memref<!tpu.dma_semaphore, #tpu.memory_space<semaphore_mem>>)
      %parallel_loop3A_149 = vector.extract_strided_slice %parallel_loop3A_27 {offsets = [11], sizes = [1], strides = [1]} : vector<16xi32> to vector<1xi32>
      %parallel_loop3A_150 = vector.extract %parallel_loop3A_149[0] : i32 from vector<1xi32>
      %parallel_loop3A_151 = arith.constant 256 : i32
      %parallel_loop3A_152 = arith.subi %parallel_loop3A_22, %parallel_loop3A_151 : i32
      %parallel_loop3A_153 = arith.constant 11 : i32
      %parallel_loop3A_154 = arith.addi %parallel_loop3A_152, %parallel_loop3A_153 : i32
      %parallel_loop3A_155 = arith.constant 0 : i32
      %parallel_loop3A_156 = tpu.memref_slice %arg7[%arg1, %parallel_loop3A_154, %parallel_loop3A_155] : memref<16x256x32xf32, #tpu.memory_space<vmem_shared>> -> memref<1x1x32xf32, #tpu.memory_space<vmem_shared>>
      %parallel_loop3A_157 = tpu.memref_squeeze %parallel_loop3A_156 : memref<1x1x32xf32, #tpu.memory_space<vmem_shared>> -> memref<1x32xf32, #tpu.memory_space<vmem_shared>>
      %parallel_loop3A_158 = arith.constant 0 : i32
      %parallel_loop3A_159 = tpu.memref_slice %arg3[%parallel_loop3A_150, %parallel_loop3A_158] : memref<1000000x32xf32, #tpu.memory_space<hbm>> -> memref<1x32xf32, #tpu.memory_space<hbm>>
      tpu.enqueue_dma source(%parallel_loop3A_159 : memref<1x32xf32, #tpu.memory_space<hbm>>) target(%parallel_loop3A_157 : memref<1x32xf32, #tpu.memory_space<vmem_shared>>) target_semaphore(%arg9 : memref<!tpu.dma_semaphore, #tpu.memory_space<semaphore_mem>>)
      %parallel_loop3A_160 = vector.extract_strided_slice %parallel_loop3A_27 {offsets = [12], sizes = [1], strides = [1]} : vector<16xi32> to vector<1xi32>
      %parallel_loop3A_161 = vector.extract %parallel_loop3A_160[0] : i32 from vector<1xi32>
      %parallel_loop3A_162 = arith.constant 256 : i32
      %parallel_loop3A_163 = arith.subi %parallel_loop3A_22, %parallel_loop3A_162 : i32
      %parallel_loop3A_164 = arith.constant 12 : i32
      %parallel_loop3A_165 = arith.addi %parallel_loop3A_163, %parallel_loop3A_164 : i32
      %parallel_loop3A_166 = arith.constant 0 : i32
      %parallel_loop3A_167 = tpu.memref_slice %arg7[%arg1, %parallel_loop3A_165, %parallel_loop3A_166] : memref<16x256x32xf32, #tpu.memory_space<vmem_shared>> -> memref<1x1x32xf32, #tpu.memory_space<vmem_shared>>
      %parallel_loop3A_168 = tpu.memref_squeeze %parallel_loop3A_167 : memref<1x1x32xf32, #tpu.memory_space<vmem_shared>> -> memref<1x32xf32, #tpu.memory_space<vmem_shared>>
      %parallel_loop3A_169 = arith.constant 0 : i32
      %parallel_loop3A_170 = tpu.memref_slice %arg3[%parallel_loop3A_161, %parallel_loop3A_169] : memref<1000000x32xf32, #tpu.memory_space<hbm>> -> memref<1x32xf32, #tpu.memory_space<hbm>>
      tpu.enqueue_dma source(%parallel_loop3A_170 : memref<1x32xf32, #tpu.memory_space<hbm>>) target(%parallel_loop3A_168 : memref<1x32xf32, #tpu.memory_space<vmem_shared>>) target_semaphore(%arg9 : memref<!tpu.dma_semaphore, #tpu.memory_space<semaphore_mem>>)
      %parallel_loop3A_171 = vector.extract_strided_slice %parallel_loop3A_27 {offsets = [13], sizes = [1], strides = [1]} : vector<16xi32> to vector<1xi32>
      %parallel_loop3A_172 = vector.extract %parallel_loop3A_171[0] : i32 from vector<1xi32>
      %parallel_loop3A_173 = arith.constant 256 : i32
      %parallel_loop3A_174 = arith.subi %parallel_loop3A_22, %parallel_loop3A_173 : i32
      %parallel_loop3A_175 = arith.constant 13 : i32
      %parallel_loop3A_176 = arith.addi %parallel_loop3A_174, %parallel_loop3A_175 : i32
      %parallel_loop3A_177 = arith.constant 0 : i32
      %parallel_loop3A_178 = tpu.memref_slice %arg7[%arg1, %parallel_loop3A_176, %parallel_loop3A_177] : memref<16x256x32xf32, #tpu.memory_space<vmem_shared>> -> memref<1x1x32xf32, #tpu.memory_space<vmem_shared>>
      %parallel_loop3A_179 = tpu.memref_squeeze %parallel_loop3A_178 : memref<1x1x32xf32, #tpu.memory_space<vmem_shared>> -> memref<1x32xf32, #tpu.memory_space<vmem_shared>>
      %parallel_loop3A_180 = arith.constant 0 : i32
      %parallel_loop3A_181 = tpu.memref_slice %arg3[%parallel_loop3A_172, %parallel_loop3A_180] : memref<1000000x32xf32, #tpu.memory_space<hbm>> -> memref<1x32xf32, #tpu.memory_space<hbm>>
      tpu.enqueue_dma source(%parallel_loop3A_181 : memref<1x32xf32, #tpu.memory_space<hbm>>) target(%parallel_loop3A_179 : memref<1x32xf32, #tpu.memory_space<vmem_shared>>) target_semaphore(%arg9 : memref<!tpu.dma_semaphore, #tpu.memory_space<semaphore_mem>>)
      %parallel_loop3A_182 = vector.extract_strided_slice %parallel_loop3A_27 {offsets = [14], sizes = [1], strides = [1]} : vector<16xi32> to vector<1xi32>
      %parallel_loop3A_183 = vector.extract %parallel_loop3A_182[0] : i32 from vector<1xi32>
      %parallel_loop3A_184 = arith.constant 256 : i32
      %parallel_loop3A_185 = arith.subi %parallel_loop3A_22, %parallel_loop3A_184 : i32
      %parallel_loop3A_186 = arith.constant 14 : i32
      %parallel_loop3A_187 = arith.addi %parallel_loop3A_185, %parallel_loop3A_186 : i32
      %parallel_loop3A_188 = arith.constant 0 : i32
      %parallel_loop3A_189 = tpu.memref_slice %arg7[%arg1, %parallel_loop3A_187, %parallel_loop3A_188] : memref<16x256x32xf32, #tpu.memory_space<vmem_shared>> -> memref<1x1x32xf32, #tpu.memory_space<vmem_shared>>
      %parallel_loop3A_190 = tpu.memref_squeeze %parallel_loop3A_189 : memref<1x1x32xf32, #tpu.memory_space<vmem_shared>> -> memref<1x32xf32, #tpu.memory_space<vmem_shared>>
      %parallel_loop3A_191 = arith.constant 0 : i32
      %parallel_loop3A_192 = tpu.memref_slice %arg3[%parallel_loop3A_183, %parallel_loop3A_191] : memref<1000000x32xf32, #tpu.memory_space<hbm>> -> memref<1x32xf32, #tpu.memory_space<hbm>>
      tpu.enqueue_dma source(%parallel_loop3A_192 : memref<1x32xf32, #tpu.memory_space<hbm>>) target(%parallel_loop3A_190 : memref<1x32xf32, #tpu.memory_space<vmem_shared>>) target_semaphore(%arg9 : memref<!tpu.dma_semaphore, #tpu.memory_space<semaphore_mem>>)
      %parallel_loop3A_193 = vector.extract_strided_slice %parallel_loop3A_27 {offsets = [15], sizes = [1], strides = [1]} : vector<16xi32> to vector<1xi32>
      %parallel_loop3A_194 = vector.extract %parallel_loop3A_193[0] : i32 from vector<1xi32>
      %parallel_loop3A_195 = arith.constant 256 : i32
      %parallel_loop3A_196 = arith.subi %parallel_loop3A_22, %parallel_loop3A_195 : i32
      %parallel_loop3A_197 = arith.constant 15 : i32
      %parallel_loop3A_198 = arith.addi %parallel_loop3A_196, %parallel_loop3A_197 : i32
      %parallel_loop3A_199 = arith.constant 0 : i32
      %parallel_loop3A_200 = tpu.memref_slice %arg7[%arg1, %parallel_loop3A_198, %parallel_loop3A_199] : memref<16x256x32xf32, #tpu.memory_space<vmem_shared>> -> memref<1x1x32xf32, #tpu.memory_space<vmem_shared>>
      %parallel_loop3A_201 = tpu.memref_squeeze %parallel_loop3A_200 : memref<1x1x32xf32, #tpu.memory_space<vmem_shared>> -> memref<1x32xf32, #tpu.memory_space<vmem_shared>>
      %parallel_loop3A_202 = arith.constant 0 : i32
      %parallel_loop3A_203 = tpu.memref_slice %arg3[%parallel_loop3A_194, %parallel_loop3A_202] : memref<1000000x32xf32, #tpu.memory_space<hbm>> -> memref<1x32xf32, #tpu.memory_space<hbm>>
      tpu.enqueue_dma source(%parallel_loop3A_203 : memref<1x32xf32, #tpu.memory_space<hbm>>) target(%parallel_loop3A_201 : memref<1x32xf32, #tpu.memory_space<vmem_shared>>) target_semaphore(%arg9 : memref<!tpu.dma_semaphore, #tpu.memory_space<semaphore_mem>>)
    } {sc.loop_unroll_factor = 1 : i64, sc.parallel_access}
    %dma_wait3A = arith.constant 0 : i32
    %dma_wait3A_8 = arith.constant 0 : i32
    %dma_wait3A_9 = tpu.memref_slice %arg3[%dma_wait3A, %dma_wait3A_8] : memref<1000000x32xf32, #tpu.memory_space<hbm>> -> memref<256x32xf32, #tpu.memory_space<hbm>>
    %dma_wait3A_10 = arith.constant 0 : i32
    %dma_wait3A_11 = arith.constant 0 : i32
    %dma_wait3A_12 = tpu.memref_slice %arg3[%dma_wait3A_10, %dma_wait3A_11] : memref<1000000x32xf32, #tpu.memory_space<hbm>> -> memref<256x32xf32, #tpu.memory_space<hbm>>
    tpu.wait_dma2 semaphore(%arg8 : memref<!tpu.dma_semaphore, #tpu.memory_space<semaphore_mem>>) src(%dma_wait3A_12 : memref<256x32xf32, #tpu.memory_space<hbm>>) dst(%arg6 : memref<256x32xf32, #tpu.memory_space<vmem>>)
    "tpu.region"() ({
      %run_scoped3A = tpu.sem_alloc : memref<!tpu.dma_semaphore, #tpu.memory_space<semaphore_mem>>
      %dma_start3A = arith.constant 0 : i32
      %dma_start3A_22 = tpu.memref_slice %arg4[%mul3A_2, %dma_start3A] : memref<16384x32xf32, #tpu.memory_space<hbm>> -> memref<256x32xf32, #tpu.memory_space<hbm>>
      %dma_start3A_23 = arith.constant 0 : i32
      %dma_start3A_24 = tpu.memref_slice %arg4[%mul3A_2, %dma_start3A_23] : memref<16384x32xf32, #tpu.memory_space<hbm>> -> memref<256x32xf32, #tpu.memory_space<hbm>>
      tpu.enqueue_dma source(%arg6 : memref<256x32xf32, #tpu.memory_space<vmem>>) target(%dma_start3A_24 : memref<256x32xf32, #tpu.memory_space<hbm>>) target_semaphore(%run_scoped3A : memref<!tpu.dma_semaphore, #tpu.memory_space<semaphore_mem>>)
      %dma_wait3A_25 = arith.constant 0 : i32
      %dma_wait3A_26 = tpu.memref_slice %arg4[%mul3A_2, %dma_wait3A_25] : memref<16384x32xf32, #tpu.memory_space<hbm>> -> memref<256x32xf32, #tpu.memory_space<hbm>>
      %dma_wait3A_27 = arith.constant 0 : i32
      %dma_wait3A_28 = tpu.memref_slice %arg4[%mul3A_2, %dma_wait3A_27] : memref<16384x32xf32, #tpu.memory_space<hbm>> -> memref<256x32xf32, #tpu.memory_space<hbm>>
      tpu.wait_dma2 semaphore(%run_scoped3A : memref<!tpu.dma_semaphore, #tpu.memory_space<semaphore_mem>>) src(%arg6 : memref<256x32xf32, #tpu.memory_space<vmem>>) dst(%dma_wait3A_28 : memref<256x32xf32, #tpu.memory_space<hbm>>)
      tpu.yield
    }) : () -> ()
    %dma_wait3A_13 = arith.constant 0 : i32
    %dma_wait3A_14 = arith.constant 0 : i32
    %dma_wait3A_15 = tpu.memref_slice %arg7[%arg1, %dma_wait3A_13, %dma_wait3A_14] : memref<16x256x32xf32, #tpu.memory_space<vmem_shared>> -> memref<1x256x32xf32, #tpu.memory_space<vmem_shared>>
    %dma_wait3A_16 = tpu.memref_squeeze %dma_wait3A_15 : memref<1x256x32xf32, #tpu.memory_space<vmem_shared>> -> memref<256x32xf32, #tpu.memory_space<vmem_shared>>
    %dma_wait3A_17 = arith.constant 0 : i32
    %dma_wait3A_18 = arith.constant 0 : i32
    %dma_wait3A_19 = tpu.memref_slice %arg3[%dma_wait3A_17, %dma_wait3A_18] : memref<1000000x32xf32, #tpu.memory_space<hbm>> -> memref<256x32xf32, #tpu.memory_space<hbm>>
    tpu.wait_dma2 semaphore(%arg9 : memref<!tpu.dma_semaphore, #tpu.memory_space<semaphore_mem>>) src(%dma_wait3A_19 : memref<256x32xf32, #tpu.memory_space<hbm>>) dst(%dma_wait3A_16 : memref<256x32xf32, #tpu.memory_space<vmem_shared>>)
    %add3A_20 = arith.constant 256 : i32
    %add3A_21 = arith.addi %mul3A_2, %add3A_20 : i32
    "tpu.region"() ({
      %run_scoped3A = tpu.sem_alloc : memref<!tpu.dma_semaphore, #tpu.memory_space<semaphore_mem>>
      %dma_start3A = arith.constant 0 : i32
      %dma_start3A_22 = tpu.memref_slice %arg4[%add3A_21, %dma_start3A] : memref<16384x32xf32, #tpu.memory_space<hbm>> -> memref<256x32xf32, #tpu.memory_space<hbm>>
      %dma_start3A_23 = arith.constant 0 : i32
      %dma_start3A_24 = arith.constant 0 : i32
      %dma_start3A_25 = tpu.memref_slice %arg7[%arg1, %dma_start3A_23, %dma_start3A_24] : memref<16x256x32xf32, #tpu.memory_space<vmem_shared>> -> memref<1x256x32xf32, #tpu.memory_space<vmem_shared>>
      %dma_start3A_26 = tpu.memref_squeeze %dma_start3A_25 : memref<1x256x32xf32, #tpu.memory_space<vmem_shared>> -> memref<256x32xf32, #tpu.memory_space<vmem_shared>>
      tpu.enqueue_dma source(%dma_start3A_26 : memref<256x32xf32, #tpu.memory_space<vmem_shared>>) target(%dma_start3A_22 : memref<256x32xf32, #tpu.memory_space<hbm>>) target_semaphore(%run_scoped3A : memref<!tpu.dma_semaphore, #tpu.memory_space<semaphore_mem>>)
      %dma_wait3A_27 = arith.constant 0 : i32
      %dma_wait3A_28 = tpu.memref_slice %arg4[%add3A_21, %dma_wait3A_27] : memref<16384x32xf32, #tpu.memory_space<hbm>> -> memref<256x32xf32, #tpu.memory_space<hbm>>
      %dma_wait3A_29 = arith.constant 0 : i32
      %dma_wait3A_30 = arith.constant 0 : i32
      %dma_wait3A_31 = tpu.memref_slice %arg7[%arg1, %dma_wait3A_29, %dma_wait3A_30] : memref<16x256x32xf32, #tpu.memory_space<vmem_shared>> -> memref<1x256x32xf32, #tpu.memory_space<vmem_shared>>
      %dma_wait3A_32 = tpu.memref_squeeze %dma_wait3A_31 : memref<1x256x32xf32, #tpu.memory_space<vmem_shared>> -> memref<256x32xf32, #tpu.memory_space<vmem_shared>>
      tpu.wait_dma2 semaphore(%run_scoped3A : memref<!tpu.dma_semaphore, #tpu.memory_space<semaphore_mem>>) src(%dma_wait3A_32 : memref<256x32xf32, #tpu.memory_space<vmem_shared>>) dst(%dma_wait3A_28 : memref<256x32xf32, #tpu.memory_space<hbm>>)
      tpu.yield
    }) : () -> ()
    return
  }
}

</mosaic_0001>

<sc_bundles>
// kernel: kernel.3.cloned.1.call-start
scs
__scs_entry_jumppad:
0x0: {  	(pc) =	sbr.rel $0x88, $3  }
0x1: {  	(tag) =	ssettag $0x0;
	lr =	simm.s32 $0x1  }
0x2: {  	[smem:$0x3F9F] =	sst lr;
	_ =	strace $0xD0000000  }
0x3: {  	_ = 	snop  }
0x4: {  	_ = 	snop  }
0x5: {  	_ = 	snop  }
0x6: {  	_ = 	snop  }
0x7: {  	_ = 	snop  }
__scs_overlays_trampoline_lowered:
0x8: {  	[smem:$0x3FAE] =	sst s0  }
0x9: {  	[smem:$0x3FAF] =	sst s1  }
0xa: {  	[smem:$0x3FB0] =	sst s2  }
0xb: {  	[smem:$0x3FB1] =	sst s3  }
0xc: {  	[smem:$0x3FB2] =	sst s4  }
0xd: {  	[smem:$0x3FB3] =	sst s5  }
0xe: {  	[smem:$0x3FB4] =	sst s6  }
0xf: {  	[smem:$0x3FB5] =	sst s7  }
0x10: {  	[smem:$0x3FB6] =	sst s8  }
0x11: {  	[smem:$0x3FB7] =	sst s9;
	s0 =	simm.s32 @!p0 $0x0  }
0x12: {  	s1 =	sld [smem:$0x3F9D];
	s0 =	simm.s32 @p0 $0x1  }
0x13: {  	[smem:$0x3FB8] =	sst s0;
	s0 =	simm.s32 @!p1 $0x0  }
0x14: {  	s2 =	sld [smem:$0x3F9C];
	s0 =	simm.s32 @p1 $0x1  }
0x15: {  	[smem:$0x3FB9] =	sst s0;
	s0 =	simm.s32 @!p2 $0x0  }
0x16: {  	s3 =	sld [smem:$0x3FDB];
	s0 =	simm.s32 @p2 $0x1  }
0x17: {  	s4 =	simm.s32 $0x1BF5;
	[smem:$0x3FBB] =	sst s0  }
0x18: {  	s0 =	sld [smem:$0x3F9E];
	_ =	swait.ge [sflag:s4], $0x0  }
0x19: {  	s7 =	sld [smem:$0x3F9F]  }
0x1a: {  	s8 =	sadd.s32 $0xFFFFE003, lr  }
0x1b: {  	s9 =	sadd.s32 $0xFFFFFEF7, lr;
	s5 =	simm.s32 $0xFFFFFFFF;
	p2 =	slt.u32 s8, $0xFFFFF086  }
0x1c: {  	p1 =	slt.u32 s9, $0xF7A;
	s5 =	simm.s32 @!p2 $0x0  }
0x1d: {  	s5 =	simm.s32 @p1 $0x1;
	p0 =	seq.s32 s7, s2  }
0x1e: {  	s7 =	smul.u32 @!p0 $0xF7A, s2;
	p2 =	seq.s32 @!p0 s5, $0x0  }
0x1f: {  	s9 =	smul.u32 $0xF7A, s1;
	s8 =	simm.s32 @!p0 $0x1BF5;
	p2 =	por !p2, p0  }
0x20: {  	[sflag:s8] =	ssyncset.s32 @!p0 $0xFFFFF086;
	s6 =	sadd.s32 @!p0 s3, s7;
	s7 =	simm.s32 @!p0 $0x108  }
0x21: {  	s3 =	sadd.s32 s3, s9;
	s6 =	sadd.s32 @!p0 $0x88, s6;
	s7 =	simm.s32 @p2 $0x1082  }
0x22: {  	[simem:s7], [sflag:s8] =	dma.local @!p0 [hbm:s6], $0xF7A  }
0x23: {  	s9 =	sor.u32 $0xD0000000, s2;
	s6 =	simm.s32 $0x108;
	_ =	swait.ge @!p0 [sflag:s8], $0x0  }
0x24: {  	s3 =	sadd.s32 $0x88, s3;
	s6 =	simm.s32 @!p1 $0x1082;
	[sflag:s4] =	ssyncset.s32 $0xFFFFF086  }
0x25: {  	[simem:s6], [sflag:s4] =	dma.local [hbm:s3], $0xF7A  }
0x26: {  	[smem:$0x3F9F] =	sst s1;
	(tag) =	ssettag s2;
	_ =	strace s9  }
0x27: {  	s1 =	sld [smem:$0x3FAF]  }
0x28: {  	s2 =	sld [smem:$0x3FB0]  }
0x29: {  	s4 =	sld [smem:$0x3FB2]  }
0x2a: {  	p0 =	seq.s32 s5, $0x0;
	s5 =	sld [smem:$0x3FB3]  }
0x2b: {  	s6 =	sld [smem:$0x3FB4]  }
0x2c: {  	s7 =	sld [smem:$0x3FB5]  }
0x2d: {  	s3 =	simm.s32 $0x108;
	s8 =	sld [smem:$0x3FB6]  }
0x2e: {  	s3 =	simm.s32 @!p0 $0x1082;
	s9 =	sld [smem:$0x3FB7]  }
0x2f: {  	lr =	sadd.s32 s0, s3;
	s0 =	sld [smem:$0x3FAE]  }
0x30: {  	s3 =	sld [smem:$0x3FB1]  }
0x31: {  	[smem:$0x3FBA] =	sst s10  }
0x32: {  	s10 =	sld [smem:$0x3FB8];
	_ =	sdelay $0x3  }
0x33: {  	p0 =	seq.s32 s10, $0x1;
	s10 =	sld [smem:$0x3FBA];
	_ =	sdelay $0x3  }
0x34: {  	[smem:$0x3FBA] =	sst s10  }
0x35: {  	s10 =	sld [smem:$0x3FB9];
	_ =	sdelay $0x3  }
0x36: {  	p1 =	seq.s32 s10, $0x1;
	s10 =	sld [smem:$0x3FBA];
	_ =	sdelay $0x3  }
0x37: {  	[smem:$0x3FBA] =	sst s10  }
0x38: {  	s10 =	sld [smem:$0x3FBB]  }
0x39: {  	_ = 	snop;
	(pc) =	sbr.ind lr, $3  }
0x3a: {  	_ = 	snop  }
0x3b: {  	_ = 	snop  }
0x3c: {  	p2 =	seq.s32 s10, $0x1;
	s10 =	sld [smem:$0x3FBA]  }
0x3d: {  	_ =	shalt  }
0x3e: {  	_ =	shalt  }
0x3f: {  	_ =	shalt  }
0x40: {  	_ =	shalt  }
0x41: {  	_ =	shalt  }
0x42: {  	_ =	shalt  }
0x43: {  	_ =	shalt  }
0x44: {  	_ =	shalt  }
0x45: {  	_ =	shalt  }
0x46: {  	_ =	shalt  }
0x47: {  	_ =	shalt  }
0x48: {  	_ =	shalt  }
0x49: {  	_ =	shalt  }
0x4a: {  	_ =	shalt  }
0x4b: {  	_ =	shalt  }
0x4c: {  	_ =	shalt  }
0x4d: {  	_ =	shalt  }
0x4e: {  	_ =	shalt  }
0x4f: {  	_ =	shalt  }
0x50: {  	_ =	shalt  }
0x51: {  	_ =	shalt  }
0x52: {  	_ =	shalt  }
0x53: {  	_ =	shalt  }
0x54: {  	_ =	shalt  }
0x55: {  	_ =	shalt  }
0x56: {  	_ =	shalt  }
0x57: {  	_ =	shalt  }
0x58: {  	_ =	shalt  }
0x59: {  	_ =	shalt  }
0x5a: {  	_ =	shalt  }
0x5b: {  	_ =	shalt  }
0x5c: {  	_ =	shalt  }
0x5d: {  	_ =	shalt  }
0x5e: {  	_ =	shalt  }
0x5f: {  	_ =	shalt  }
0x60: {  	_ =	shalt  }
0x61: {  	_ =	shalt  }
0x62: {  	_ =	shalt  }
0x63: {  	_ =	shalt  }
0x64: {  	_ =	shalt  }
0x65: {  	_ =	shalt  }
0x66: {  	_ =	shalt  }
0x67: {  	_ =	shalt  }
0x68: {  	_ =	shalt  }
0x69: {  	_ =	shalt  }
0x6a: {  	_ =	shalt  }
0x6b: {  	_ =	shalt  }
0x6c: {  	_ =	shalt  }
0x6d: {  	_ =	shalt  }
0x6e: {  	_ =	shalt  }
0x6f: {  	_ =	shalt  }
0x70: {  	_ =	shalt  }
0x71: {  	_ =	shalt  }
0x72: {  	_ =	shalt  }
0x73: {  	_ =	shalt  }
0x74: {  	_ =	shalt  }
0x75: {  	_ =	shalt  }
0x76: {  	_ =	shalt  }
0x77: {  	_ =	shalt  }
0x78: {  	_ =	shalt  }
0x79: {  	_ =	shalt  }
0x7a: {  	_ =	shalt  }
0x7b: {  	_ =	shalt  }
0x7c: {  	_ =	shalt  }
0x7d: {  	_ =	shalt  }
0x7e: {  	_ =	shalt  }
0x7f: {  	_ =	shalt  }
0x80: {  	_ =	shalt  }
0x81: {  	_ =	shalt  }
0x82: {  	_ =	shalt  }
0x83: {  	_ =	shalt  }
0x84: {  	_ =	shalt  }
0x85: {  	_ =	shalt  }
0x86: {  	_ =	shalt  }
0x87: {  	_ =	shalt  }
.Lfunc_end0:
.L_simem_size_0:
called_computation_lowered:
.L_overlay_start_0:
0x88: {  	s2 =	sld [smem:$0x3FD9]  }
0x89: {  	s3 =	sld [smem:$0x3FFE];
	_ =	sdelay $0x1  }
0x8a: {  	s1 =	srdreg.scid  }
0x8b: {  	s0 =	sand.u32 $0x1, s1  }
0x8c: {  	s17 =	sshll.u32 s0, $0xA;
	s2 =	sadd.s32 s3, s2  }
0x8d: {  	s2 =	sadd.s32 s2, s17  }
0x8e: {  	[smem:$0x3FC6] =	sst s2  }
0x8f: {  	_ = 	snop  }
0x90: {  	s2 =	sld [smem:$0x3FC9];
	(tm) =	ssettm $0x1  }
0x91: {  	s18 =	sld [smem:$0x3FFB];
	_ =	sdelay $0x3  }
0x92: {  	_ =	strace s18  }
0x93: {  	s3 =	sld [smem:$0x3FFC];
	_ =	sdelay $0x3  }
0x94: {  	_ =	strace s3  }
0x95: {  	s3 =	sld [smem:$0x3FFD];
	_ =	sdelay $0x3  }
0x96: {  	_ =	strace s3  }
0x97: {  	_ =	strace $0x8FFFFFFF  }
0x98: {  	s19 =	sld [smem:$0x3FDB];
	_ =	sdelay $0x1  }
0x99: {  	s4 =	simm.s32 $_scs_section_size  }
0x9a: {  	s5 =	simm.s32 $_size__tile_overlayer_lowered;
	s6 =	simm.s32 $_tile_overlayer_lowered  }
0x9b: {  	s22 =	simm.s32 $0x1BFF;
	s21 =	sshll.u32 s6, $0x1;
	s3 =	sadd.s32 s4, s19  }
0x9c: {  	s7 =	simm.s32 $0x0;
	s20 =	sshll.u32 s5, $0x1;
	s5 =	sadd.s32 s21, s3  }
0x9d: {  	[timem:s7], [sflag:s22] =	dma.local [hbm:s5], s20  }
0x9e: {  	_ =	swait.ge [sflag:s22], s20  }
0x9f: {  	s4 =	ssub.s32 $0x0, s20;
	[sflag:s22] =	ssyncset.done $0x0  }
0xa0: {  	[sflag:s22] =	ssyncadd.s32 s4;
	_ =	sdelay $0x1  }
0xa1: {  	s23 =	simm.s32 $0x1B8B  }
0xa2: {  	_ =	swait.ge [sflag:s23], $0x1  }
0xa3: {  	[sflag:s23] =	ssyncset.done $0x0  }
0xa4: {  	s25 =	simm.s32 $0x1B8E;
	s24 =	sld [smem:$0x3FFE];
	[sflag:s23] =	ssyncadd.s32 $0xFFFFFFFF  }
0xa5: {  	s26 =	simm.s32 $execute0_lowered;
	[smem:$0x3FD2] =	sst s25  }
0xa6: {  	s5 =	sshll.u32 s26, $0x1;
	_ =	strace $0x80000046;
	[dreg:$0x1] =	wrdreg $0xFFFFFFFF  }
0xa7: {  	s28 =	simm.s32 $_size_execute0_lowered;
	s3 =	sadd.s32 s3, s5;
	[dreg:$0x0] =	wrdreg $0x0  }
0xa8: {  	s5 =	sshll.u32 s28, $0x1;
	[dreg:$0x2] =	wrdreg s3  }
0xa9: {  	[dreg:$0x3] =	wrdreg s5  }
0xaa: {  	[dreg:$0x4] =	wrdreg $0xC0  }
0xab: {  	_ =	task [dreg:s7], $0x5FFFF  }
0xac: {  	[dreg:$0x1] =	wrdreg $0xFFFFFFFF  }
0xad: {  	[dreg:$0x0] =	wrdreg $0x60  }
0xae: {  	[dreg:$0x2] =	wrdreg s2  }
0xaf: {  	[dreg:$0x3] =	wrdreg s24  }
0xb0: {  	[dreg:$0x4] =	wrdreg $0x82000  }
0xb1: {  	[dreg:$0x5] =	wrdreg $0x9  }
0xb2: {  	_ =	task.clear_ibuf [dreg:s7], $0x6FFFF;
	_ =	strace $0x90000046  }
0xb3: {  	s29 =	simm.s32 $0x9;
	_ =	strace $0x80000048  }
0xb4: {  	_ =	swait.ge [sflag:s29], $0x1  }
0xb5: {  	[sflag:s29] =	ssyncadd.s32 $0xFFFFFFFF  }
0xb6: {  	_ =	strace $0x90000048  }
0xb7: {  	_ =	sfence  }
0xb8: {  	s30 =	sld [smem:$0x0];
	_ =	sdelay $0x2  }
0xb9: {  	s31 =	sshll.u32 s1, $0xD;
	s1 =	sshrl.u32 s1, $0x2  }
0xba: {  	s3 =	sand.u32 $0x4000, s31;
	s1 =	sadd.s32 s1, s30  }
0xbb: {  	s0 =	sor.u32 s3, s0;
	s1 =	sshll.u32 s1, $0x11  }
0xbc: {  	s0 =	sor.u32 s1, s0  }
0xbd: {  	s0 =	sadd.s32 $0x8F2B, s0  }
0xbe: {  	[sflag:s0] =	ssyncadd.remote.s32 $0x1  }
0xbf: {  	_ =	sfence.sel $0xFFFF  }
0xc0: {  	[dreg:$0x0] =	wrdreg $0xFFFFFFFF;
	(pc) =	sbr.abs _section_cstart, $3  }
0xc1: {  	[dreg:$0x1] =	wrdreg $0xFFFFFFFF  }
0xc2: {  	_ =	task.clear_ibuf [dreg:s7], $0x2FFFF;
	_ =	strace $0x9FFFFFFF  }
0xc3: {  	(tm) =	ssettm $0x7FFFFFFF  }
tec
execute0_lowered:
.L_overlay_start_1:
0x0: {  	(tag) =	ssettag $0x1  }
0x1: {  	s0 =	rddreg [dreg:$0x0]  }
0x2: {  	s1 =	rddreg [dreg:$0x1]  }
0x3: {  	s2 =	rddreg [dreg:$0x2]  }
0x4: {  	s3 =	srdreg.scid;
	s11 =	simm.s32 $0x0;
	s7 =	stileid.u32  }
0x5: {  	s4 =	sand.u32 $0x1, s3;
	[smem:$0x7FF] =	sst s11;
	s25 =	sshll.u32 s7, $0xA  }
0x6: {  	s3 =	sadd.s32 $0x400, s1;
	s31 =	sshll.u32 s7, $0x6;
	s5 =	sshll.u32 s4, $0x9  }
0x7: {  	_ =	strace $0x80000047;
	s4 =	ssub.s32 $0x2, s4;
	s5 =	sor.u32 s5, s25  }
0x8: {  	s26 =	sshrl.u32 s4, $0x1;
	s6 =	sshll.u32 s5, $0x4;
	s5 =	sshrl.u32 s5, $0x3  }
0x9: {  	[dreg:$0x15] =	wrdreg s31;
	s4 =	ssub.s32 s4, s26;
	s0 =	sadd.s32 s0, s5  }
0xa: {  	s1 =	sadd.s32 s6, s1;
	s30 =	smax.u32 s4, $0x1;
	[dreg:$0xf] =	wrdreg s0  }
0xb: {  	s29 =	sadd.s32 $0xF42800, s1;
	[dreg:$0x13] =	wrdreg s30  }
0xc: {  	s28 =	sshll.u32 s7, $0xF;
	s1 =	sadd.s32 $0xF43800, s1;
	[dreg:$0x11] =	wrdreg s29  }
0xd: {  	s0 =	sadd.s32 s28, s2;
	[dreg:$0x12] =	wrdreg s1  }
0xe: {  	s12 =	sor.u32 $0x1C02, s31;
	[dreg:$0x10] =	wrdreg s0;
	s0 =	sadd.s32 $0x780, s0  }
0xf: {  	s4 =	simm.s32 $0x3;
	s1 =	simm.s32 $0x0;
	[dreg:$0x14] =	wrdreg s0  }
.LBB2_1:
0x10: {  	[dreg:$0x16] =	wrdreg s1  }
0x11: {  	s0 =	rddreg [dreg:$0xf]  }
0x12: {  	[tilespmem:s11], [sflag:$0x3] =	stream.linear.gather [hbm4b:s0+s11], $0x200, $0x38;
	[tilespmem:$0xA200] =	vst v63  }
0x13: {  	_ =	swait.ge [sflag:s4], $0x200  }
0x14: {  	[sflag:s4] =	ssyncset.done $0x0  }
0x15: {  	[sflag:s4] =	ssyncadd.s32 $0xFFFFFE00  }
0x16: {  	v0 =	vld [tilespmem:s11+$0x0];
	_ =	sdelay $0x4  }
0x17: {  	v0 =	vshll.u32 v0, $0x4  }
0x18: {  	(v2sf) =	vpush v0, $0x0  }
0x19: {  	(v2sf) =	vpush v0, $0x1  }
0x1a: {  	(v2sf) =	vpush v0, $0x2;
	_ =	sdelay $0x1  }
0x1b: {  	(v2sf) =	vpush v0, $0x3  }
0x1c: {  	(v2sf) =	vpush v0, $0x4;
	_ =	sdelay $0x1  }
0x1d: {  	(v2sf) =	vpush v0, $0x5;
	_ =	sdelay $0x1  }
0x1e: {  	(v2sf) =	vpush v0, $0x6;
	_ =	sdelay $0x3  }
0x1f: {  	(v2sf) =	vpush v0, $0x7  }
0x20: {  	s17 =	simm.s32 $0x980;
	s18 =	simm.s32 $0x0  }
0x21: {  	s29 =	simm.s32 $0x380;
	s30 =	simm.s32 $0x400;
	s6 =	spop (v2sf)  }
0x22: {  	s7 =	simm.s32 $0x200;
	s6 =	sand.u32 $0x1FFFFFF0, s6;
	s8 =	spop (v2sf)  }
0x23: {  	s6 =	sadd.s32 s3, s6;
	s8 =	sand.u32 $0x1FFFFFF0, s8;
	s9 =	spop (v2sf)  }
0x24: {  	[tilespmem:s7], [sflag:$0x1] =	stream.linear.gather [hbm4b:s6+s11], $0x80, $0x38;
	[tilespmem:$0xA200] =	vst v63  }
0x25: {  	(v2sf) =	vpush v0, $0x8;
	s7 =	sadd.s32 s3, s8;
	s8 =	sand.u32 $0x1FFFFFF0, s9;
	s9 =	spop (v2sf)  }
0x26: {  	s31 =	simm.s32 $0x280;
	s5 =	simm.s32 $0x300;
	s14 =	spop (v2sf)  }
0x27: {  	[tilespmem:s31], [sflag:$0x1] =	stream.linear.gather [hbm4b:s7+s11], $0x80, $0x38;
	[tilespmem:$0xA200] =	vst v63  }
0x28: {  	s10 =	sadd.s32 s3, s8;
	s13 =	sand.u32 $0x1FFFFFF0, s9;
	s19 =	spop (v2sf)  }
0x29: {  	[tilespmem:s5], [sflag:$0x1] =	stream.linear.gather [hbm4b:s10+s11], $0x80, $0x38;
	[tilespmem:$0xA200] =	vst v63  }
0x2a: {  	(v2sf) =	vpush v0, $0x9;
	s15 =	sadd.s32 s3, s13;
	s16 =	sand.u32 $0x1FFFFFF0, s14;
	s22 =	spop (v2sf)  }
0x2b: {  	(v2sf) =	vpush v0, $0xA;
	[tilespmem:s29], [sflag:$0x1] =	stream.linear.gather [hbm4b:s15+s11], $0x80, $0x38;
	[tilespmem:$0xA200] =	vst v63  }
0x2c: {  	s2 =	simm.s32 $0x480;
	s20 =	sadd.s32 s3, s16;
	s21 =	sand.u32 $0x1FFFFFF0, s19;
	(v2sf) =	vpush v0, $0xB  }
0x2d: {  	[tilespmem:s30], [sflag:$0x1] =	stream.linear.gather [hbm4b:s20+s11], $0x80, $0x38;
	[tilespmem:$0xA200] =	vst v63  }
0x2e: {  	s23 =	sadd.s32 s3, s21;
	s24 =	sand.u32 $0x1FFFFFF0, s22;
	s25 =	spop (v2sf);
	(v2sf) =	vpush v0, $0xC  }
0x2f: {  	[tilespmem:s2], [sflag:$0x1] =	stream.linear.gather [hbm4b:s23+s11], $0x80, $0x38;
	[tilespmem:$0xA200] =	vst v63  }
0x30: {  	s26 =	simm.s32 $0x500;
	s1 =	sadd.s32 s3, s24;
	s28 =	sand.u32 $0x1FFFFFF0, s25;
	(v2sf) =	vpush v0, $0xD  }
0x31: {  	[tilespmem:s26], [sflag:$0x1] =	stream.linear.gather [hbm4b:s1+s11], $0x80, $0x38;
	[tilespmem:$0xA200] =	vst v63  }
0x32: {  	s19 =	simm.s32 $0x100;
	s29 =	simm.s32 $0x580;
	(v2sf) =	vpush v0, $0xE;
	s30 =	sadd.s32 s3, s28  }
0x33: {  	[tilespmem:s29], [sflag:$0x1] =	stream.linear.gather [hbm4b:s30+s11], $0x80, $0x38;
	[tilespmem:$0xA200] =	vst v63  }
0x34: {  	s21 =	simm.s32 $0x10;
	s22 =	simm.s32 $0x800;
	s31 =	spop (v2sf);
	(v2sf) =	vpush v0, $0xF  }
0x35: {  	s20 =	simm.s32 $0x880;
	s23 =	simm.s32 $0x780;
	s0 =	sand.u32 $0x1FFFFFF0, s31  }
.LBB2_2:
0x36: {  	s1 =	sadd.s32 $0xFFFFFC80, s17  }
0x37: {  	v0 =	vld [tilespmem:s21+$0x0];
	s0 =	sadd.s32 s3, s0;
	s2 =	sadd.s32 $0xFFFFFD80, s17;
	s4 =	smov.u32 s17  }
0x38: {  	[tilespmem:s1], [sflag:$0x1] =	stream.linear.gather [hbm4b:s0+s11], $0x80, $0x38;
	[tilespmem:$0xA200] =	vst v63  }
0x39: {  	s18 =	sadd.s32 $0x10, s18;
	s0 =	sadd.s32 $0xFFFFFD00, s17;
	s1 =	spop (v2sf)  }
0x3a: {  	p0 =	slt.u32 s18, $0xF0;
	s1 =	sand.u32 $0x1FFFFFF0, s1;
	s5 =	spop (v2sf)  }
0x3b: {  	s1 =	sadd.s32 s3, s1;
	s5 =	sand.u32 $0x1FFFFFF0, s5;
	s6 =	spop (v2sf)  }
0x3c: {  	v0 =	vshll.u32 v0, $0x4;
	[tilespmem:s0], [sflag:$0x1] =	stream.linear.gather [hbm4b:s1+s11], $0x80, $0x38;
	[tilespmem:$0xA200] =	vst v63  }
0x3d: {  	s0 =	sadd.s32 s3, s5;
	s1 =	sand.u32 $0x1FFFFFF0, s6;
	(v2sf) =	vpush v0, $0x0;
	s5 =	spop (v2sf)  }
0x3e: {  	(v2sf) =	vpush v0, $0x1;
	[tilespmem:s2], [sflag:$0x1] =	stream.linear.gather [hbm4b:s0+s11], $0x80, $0x38;
	[tilespmem:$0xA200] =	vst v63  }
0x3f: {  	s0 =	sadd.s32 s3, s1;
	s1 =	sand.u32 $0x1FFFFFF0, s5;
	(v2sf) =	vpush v0, $0x2;
	s2 =	spop (v2sf)  }
0x40: {  	[tilespmem:s23], [sflag:$0x1] =	stream.linear.gather [hbm4b:s0+s11], $0x80, $0x38;
	[tilespmem:$0xA200] =	vst v63  }
0x41: {  	s0 =	sadd.s32 s3, s1;
	s1 =	sand.u32 $0x1FFFFFF0, s2;
	(v2sf) =	vpush v0, $0x3;
	s2 =	spop (v2sf)  }
0x42: {  	[tilespmem:s22], [sflag:$0x1] =	stream.linear.gather [hbm4b:s0+s11], $0x80, $0x38;
	[tilespmem:$0xA200] =	vst v63  }
0x43: {  	s0 =	sadd.s32 s3, s1;
	s1 =	sand.u32 $0x1FFFFFF0, s2;
	(v2sf) =	vpush v0, $0x4;
	s2 =	spop (v2sf)  }
0x44: {  	[tilespmem:s20], [sflag:$0x1] =	stream.linear.gather [hbm4b:s0+s11], $0x80, $0x38;
	[tilespmem:$0xA200] =	vst v63  }
0x45: {  	s1 =	sadd.s32 s3, s1;
	s0 =	sadd.s32 $0xFFFFFF80, s17;
	s2 =	sand.u32 $0x1FFFFFF0, s2;
	(v2sf) =	vpush v0, $0x5  }
0x46: {  	[tilespmem:s0], [sflag:$0x1] =	stream.linear.gather [hbm4b:s1+s11], $0x80, $0x38;
	[tilespmem:$0xA200] =	vst v63  }
0x47: {  	s17 =	sadd.s32 $0x800, s17;
	s0 =	sadd.s32 s3, s2;
	(v2sf) =	vpush v0, $0x6  }
0x48: {  	[tilespmem:s4], [sflag:$0x1] =	stream.linear.gather [hbm4b:s0+s11], $0x80, $0x38;
	[tilespmem:$0xA200] =	vst v63  }
0x49: {  	s21 =	sadd.s32 $0x10, s21;
	s20 =	sadd.s32 $0xFFFFFF00, s17;
	(v2sf) =	vpush v0, $0x7  }
0x4a: {  	s23 =	sadd.s32 $0xFFFFFE00, s17;
	s22 =	sadd.s32 $0xFFFFFE80, s17;
	s0 =	sadd.s32 $0xFFFFFB80, s17  }
0x4b: {  	s1 =	sadd.s32 $0xFFFFFA00, s17;
	s2 =	sadd.s32 $0xFFFFFA80, s17;
	s4 =	sadd.s32 $0xFFFFFB00, s17;
	(v2sf) =	vpush v0, $0x8  }
0x4c: {  	s5 =	sadd.s32 $0xFFFFF900, s17;
	s6 =	sadd.s32 $0xFFFFF980, s17;
	s7 =	spop (v2sf)  }
0x4d: {  	s8 =	sadd.s32 $0xFFFFF880, s17;
	s7 =	sand.u32 $0x1FFFFFF0, s7;
	s9 =	spop (v2sf)  }
0x4e: {  	s7 =	sadd.s32 s3, s7;
	s9 =	sand.u32 $0x1FFFFFF0, s9;
	s10 =	spop (v2sf)  }
0x4f: {  	[tilespmem:s8], [sflag:$0x1] =	stream.linear.gather [hbm4b:s7+s11], $0x80, $0x38;
	[tilespmem:$0xA200] =	vst v63  }
0x50: {  	s7 =	sadd.s32 s3, s9;
	s8 =	sand.u32 $0x1FFFFFF0, s10;
	s9 =	spop (v2sf)  }
0x51: {  	[tilespmem:s5], [sflag:$0x1] =	stream.linear.gather [hbm4b:s7+s11], $0x80, $0x38;
	(v2sf) =	vpush v0, $0x9;
	[tilespmem:$0xA200] =	vst v63  }
0x52: {  	s5 =	sadd.s32 s3, s8;
	s7 =	sand.u32 $0x1FFFFFF0, s9;
	s8 =	spop (v2sf);
	(v2sf) =	vpush v0, $0xA  }
0x53: {  	[tilespmem:s6], [sflag:$0x1] =	stream.linear.gather [hbm4b:s5+s11], $0x80, $0x38;
	(v2sf) =	vpush v0, $0xB;
	[tilespmem:$0xA200] =	vst v63  }
0x54: {  	s5 =	sadd.s32 s3, s7;
	s6 =	sand.u32 $0x1FFFFFF0, s8;
	s7 =	spop (v2sf)  }
0x55: {  	[tilespmem:s1], [sflag:$0x1] =	stream.linear.gather [hbm4b:s5+s11], $0x80, $0x38;
	(v2sf) =	vpush v0, $0xC;
	[tilespmem:$0xA200] =	vst v63  }
0x56: {  	s1 =	sadd.s32 s3, s6;
	s5 =	sand.u32 $0x1FFFFFF0, s7;
	s6 =	spop (v2sf)  }
0x57: {  	[tilespmem:s2], [sflag:$0x1] =	stream.linear.gather [hbm4b:s1+s11], $0x80, $0x38;
	(v2sf) =	vpush v0, $0xD;
	[tilespmem:$0xA200] =	vst v63  }
0x58: {  	s1 =	sadd.s32 s3, s5;
	s2 =	sand.u32 $0x1FFFFFF0, s6;
	s5 =	spop (v2sf)  }
0x59: {  	[tilespmem:s4], [sflag:$0x1] =	stream.linear.gather [hbm4b:s1+s11], $0x80, $0x38;
	[tilespmem:$0xA200] =	vst v63  }
.Ltmp0:
0x5a: {  	(v2sf) =	vpush v0, $0xE;
	(pc) =	sbr.rel @p0 .LBB2_2-.Ltmp0, $4  }
0x5b: {  	s1 =	sadd.s32 s3, s2;
	s2 =	sand.u32 $0x1FFFFFF0, s5;
	s4 =	spop (v2sf)  }
0x5c: {  	[tilespmem:s0], [sflag:$0x1] =	stream.linear.gather [hbm4b:s1+s11], $0x80, $0x38;
	(v2sf) =	vpush v0, $0xF;
	[tilespmem:$0xA200] =	vst v63  }
0x5d: {  	s2 =	sadd.s32 s3, s2;
	s1 =	sadd.s32 $0xFFFFFC00, s17;
	s0 =	sand.u32 $0x1FFFFFF0, s4  }
0x5e: {  	[tilespmem:s1], [sflag:$0x1] =	stream.linear.gather [hbm4b:s2+s11], $0x80, $0x38;
	[tilespmem:$0xA200] =	vst v63  }
0x5f: {  	s1 =	sadd.s32 $0xFFFFFC80, s17;
	s0 =	sadd.s32 s3, s0  }
0x60: {  	[tilespmem:s1], [sflag:$0x1] =	stream.linear.gather [hbm4b:s0+s11], $0x80, $0x38;
	[tilespmem:$0xA200] =	vst v63  }
0x61: {  	s6 =	sadd.s32 $0xFFFFFD80, s17;
	s7 =	spop (v2sf)  }
0x62: {  	s2 =	sadd.s32 $0xFFFFFD00, s17;
	s1 =	sand.u32 $0x1FFFFFF0, s7;
	s4 =	spop (v2sf)  }
0x63: {  	s1 =	sadd.s32 s3, s1;
	s4 =	sand.u32 $0x1FFFFFF0, s4;
	s5 =	spop (v2sf)  }
0x64: {  	[tilespmem:s2], [sflag:$0x1] =	stream.linear.gather [hbm4b:s1+s11], $0x80, $0x38;
	[tilespmem:$0xA200] =	vst v63  }
0x65: {  	s8 =	sadd.s32 s3, s4;
	s9 =	sand.u32 $0x1FFFFFF0, s5;
	s10 =	spop (v2sf)  }
0x66: {  	[tilespmem:s6], [sflag:$0x1] =	stream.linear.gather [hbm4b:s8+s11], $0x80, $0x38;
	[tilespmem:$0xA200] =	vst v63  }
0x67: {  	s13 =	sadd.s32 s3, s9;
	s14 =	sand.u32 $0x1FFFFFF0, s10;
	s15 =	spop (v2sf)  }
0x68: {  	[tilespmem:s23], [sflag:$0x1] =	stream.linear.gather [hbm4b:s13+s11], $0x80, $0x38;
	[tilespmem:$0xA200] =	vst v63  }
0x69: {  	s16 =	sadd.s32 s3, s14;
	s18 =	sand.u32 $0x1FFFFFF0, s15;
	s21 =	spop (v2sf)  }
0x6a: {  	[tilespmem:s22], [sflag:$0x1] =	stream.linear.gather [hbm4b:s16+s11], $0x80, $0x38;
	[tilespmem:$0xA200] =	vst v63  }
0x6b: {  	s23 =	sadd.s32 s3, s18;
	s24 =	sand.u32 $0x1FFFFFF0, s21;
	s25 =	spop (v2sf)  }
0x6c: {  	[tilespmem:s20], [sflag:$0x1] =	stream.linear.gather [hbm4b:s23+s11], $0x80, $0x38;
	[tilespmem:$0xA200] =	vst v63  }
0x6d: {  	s26 =	sadd.s32 $0xFFFFFF80, s17;
	s1 =	sadd.s32 s3, s24;
	s2 =	sand.u32 $0x1FFFFFF0, s25  }
0x6e: {  	[tilespmem:s26], [sflag:$0x1] =	stream.linear.gather [hbm4b:s1+s11], $0x80, $0x38;
	[tilespmem:$0xA200] =	vst v63  }
0x6f: {  	s1 =	sadd.s32 s3, s2  }
0x70: {  	[tilespmem:s17], [sflag:$0x1] =	stream.linear.gather [hbm4b:s1+s11], $0x80, $0x38;
	[tilespmem:$0xA200] =	vst v63  }
0x71: {  	v0 =	vld [tilespmem:s19+$0x0];
	_ =	sdelay $0x4  }
0x72: {  	v0 =	vshll.u32 v0, $0x4  }
0x73: {  	(v2sf) =	vpush v0, $0xF  }
0x74: {  	(v2sf) =	vpush v0, $0xE  }
0x75: {  	(v2sf) =	vpush v0, $0xD  }
0x76: {  	(v2sf) =	vpush v0, $0xC;
	_ =	sdelay $0x2  }
0x77: {  	(v2sf) =	vpush v0, $0xB  }
0x78: {  	s26 =	rddreg [dreg:$0x14];
	(v2sf) =	vpush v0, $0xA  }
0x79: {  	s2 =	sadd.s32 $0xFFFFFF00, s26;
	s24 =	sadd.s32 $0xFFFFFF80, s26;
	(v2sf) =	vpush v0, $0x9  }
0x7a: {  	s4 =	sadd.s32 $0xFFFFFE00, s26;
	s25 =	sadd.s32 $0xFFFFFE80, s26;
	s7 =	sadd.s32 $0xFFFFFD00, s26;
	(v2sf) =	vpush v0, $0x8  }
0x7b: {  	s8 =	sadd.s32 $0xFFFFFD80, s26;
	s10 =	sadd.s32 $0xFFFFFC80, s26;
	s11 =	sadd.s32 $0xFFFFFC00, s26;
	(v2sf) =	vpush v0, $0x7  }
0x7c: {  	s14 =	sadd.s32 $0xFFFFFB00, s26;
	s15 =	sadd.s32 $0xFFFFFB80, s26;
	s17 =	sadd.s32 $0xFFFFFA00, s26;
	(v2sf) =	vpush v0, $0x6  }
0x7d: {  	s18 =	sadd.s32 $0xFFFFFA80, s26;
	s20 =	sadd.s32 $0xFFFFF900, s26;
	s21 =	sadd.s32 $0xFFFFF980, s26;
	(v2sf) =	vpush v0, $0x5  }
0x7e: {  	s23 =	sadd.s32 $0xFFFFF880, s26;
	s29 =	sshrl.u32 s2, $0x3;
	s2 =	sshrl.u32 s8, $0x3;
	(v2sf) =	vpush v0, $0x4  }
0x7f: {  	s28 =	sshrl.u32 s24, $0x3;
	s4 =	sshrl.u32 s4, $0x3;
	[dreg:$0x5] =	wrdreg s2  }
0x80: {  	s5 =	sshrl.u32 s10, $0x3;
	[dreg:$0x4] =	wrdreg s4;
	s22 =	spop (v2sf);
	(v2sf) =	vpush v0, $0x3  }
0x81: {  	s8 =	sshrl.u32 s7, $0x3;
	[dreg:$0x7] =	wrdreg s5;
	s13 =	spop (v2sf);
	(v2sf) =	vpush v0, $0x2  }
0x82: {  	s10 =	sshrl.u32 s15, $0x3;
	[dreg:$0x6] =	wrdreg s8;
	s30 =	spop (v2sf);
	(v2sf) =	vpush v0, $0x1  }
0x83: {  	s15 =	sshrl.u32 s11, $0x3;
	[dreg:$0x9] =	wrdreg s10;
	s6 =	spop (v2sf);
	(v2sf) =	vpush v0, $0x0  }
0x84: {  	s0 =	sshrl.u32 s18, $0x3;
	s18 =	sshrl.u32 s14, $0x3;
	[dreg:$0x8] =	wrdreg s15  }
0x85: {  	s31 =	sshrl.u32 s25, $0x3;
	s1 =	sshrl.u32 s17, $0x3;
	[dreg:$0xa] =	wrdreg s18  }
0x86: {  	s4 =	sshrl.u32 s21, $0x3;
	s10 =	sshrl.u32 s23, $0x3;
	s16 =	spop (v2sf)  }
0x87: {  	s5 =	sshrl.u32 s20, $0x3;
	s8 =	sand.u32 $0x1FFFFFF0, s22;
	s19 =	spop (v2sf)  }
0x88: {  	s13 =	sand.u32 $0x1FFFFFF0, s13;
	s22 =	sand.u32 $0x1FFFFFF0, s16;
	s9 =	spop (v2sf)  }
0x89: {  	s16 =	sand.u32 $0x1FFFFFF0, s6;
	s6 =	sand.u32 $0x1FFFFFF0, s30;
	s24 =	spop (v2sf)  }
0x8a: {  	s30 =	sshrl.u32 s26, $0x3;
	s11 =	sand.u32 $0x1FFFFFF0, s19;
	s25 =	spop (v2sf)  }
0x8b: {  	s11 =	sadd.s32 s3, s11;
	s15 =	sand.u32 $0x1FFFFFF0, s24;
	s2 =	spop (v2sf)  }
0x8c: {  	s24 =	sand.u32 $0x1FFFFFF0, s9;
	s17 =	sand.u32 $0x1FFFFFF0, s25;
	s7 =	spop (v2sf)  }
0x8d: {  	s2 =	sand.u32 $0x1FFFFFF0, s2;
	s14 =	spop (v2sf);
	s9 =	sand.u32 $0x1FFFFFF0, s7  }
0x8e: {  	s7 =	sadd.s32 s3, s6;
	s6 =	sadd.s32 s3, s13;
	s13 =	sadd.s32 s3, s22  }
0x8f: {  	s22 =	simm.s32 $0x110;
	s19 =	sand.u32 $0x1FFFFFF0, s14;
	s23 =	spop (v2sf)  }
0x90: {  	s14 =	sadd.s32 s3, s8;
	s8 =	sadd.s32 s3, s16;
	s20 =	spop (v2sf)  }
0x91: {  	s16 =	sadd.s32 s3, s24;
	s24 =	simm.s32 $0x100;
	s21 =	spop (v2sf)  }
0x92: {  	s18 =	sand.u32 $0x1FFFFFF0, s20;
	s20 =	sand.u32 $0x1FFFFFF0, s23;
	s25 =	spop (v2sf)  }
0x93: {  	s21 =	sand.u32 $0x1FFFFFF0, s21;
	s23 =	sand.u32 $0x1FFFFFF0, s25;
	s25 =	smov.u32 s26  }
.LBB2_4:
0x94: {  	v0 =	vld [tilespmem:s22+$0x0];
	_ =	sdelay $0x1  }
0x95: {  	s23 =	sadd.s32 s3, s23;
	s21 =	sadd.s32 s3, s21;
	s18 =	sadd.s32 s3, s18  }
0x96: {  	[spmem:s10], [sflag:s12] =	dma.local [hbm:s23], $0x10  }
0x97: {  	[spmem:s5], [sflag:s12] =	dma.local [hbm:s21], $0x10  }
0x98: {  	[spmem:s4], [sflag:s12] =	dma.local [hbm:s18], $0x10;
	v0 =	vshll.u32 v0, $0x4  }
0x99: {  	s20 =	sadd.s32 s3, s20;
	(v2sf) =	vpush v0, $0xF  }
0x9a: {  	[spmem:s1], [sflag:s12] =	dma.local [hbm:s20], $0x10  }
0x9b: {  	s19 =	sadd.s32 s3, s19;
	(v2sf) =	vpush v0, $0xE  }
0x9c: {  	[spmem:s0], [sflag:s12] =	dma.local [hbm:s19], $0x10  }
0x9d: {  	s9 =	sadd.s32 s3, s9;
	(v2sf) =	vpush v0, $0xD;
	s0 =	rddreg [dreg:$0xa]  }
0x9e: {  	[spmem:s0], [sflag:s12] =	dma.local [hbm:s9], $0x10  }
0x9f: {  	s2 =	sadd.s32 s3, s2;
	(v2sf) =	vpush v0, $0xC;
	s0 =	rddreg [dreg:$0x9]  }
0xa0: {  	[spmem:s0], [sflag:s12] =	dma.local [hbm:s2], $0x10  }
0xa1: {  	s17 =	sadd.s32 s3, s17;
	(v2sf) =	vpush v0, $0xB;
	s0 =	rddreg [dreg:$0x8]  }
0xa2: {  	[spmem:s0], [sflag:s12] =	dma.local [hbm:s17], $0x10  }
0xa3: {  	s15 =	sadd.s32 s3, s15;
	(v2sf) =	vpush v0, $0xA;
	s0 =	rddreg [dreg:$0x7]  }
0xa4: {  	[spmem:s0], [sflag:s12] =	dma.local [hbm:s15], $0x10  }
0xa5: {  	(v2sf) =	vpush v0, $0x9;
	s0 =	rddreg [dreg:$0x6]  }
0xa6: {  	[spmem:s0], [sflag:s12] =	dma.local [hbm:s16], $0x10  }
0xa7: {  	s22 =	sadd.s32 $0x10, s22;
	(v2sf) =	vpush v0, $0x8;
	s0 =	rddreg [dreg:$0x5]  }
0xa8: {  	[spmem:s0], [sflag:s12] =	dma.local [hbm:s11], $0x10  }
0xa9: {  	s25 =	sadd.s32 $0x800, s25;
	s24 =	sadd.s32 $0x10, s24;
	(v2sf) =	vpush v0, $0x7;
	s0 =	rddreg [dreg:$0x4]  }
0xaa: {  	[spmem:s0], [sflag:s12] =	dma.local [hbm:s13], $0x10  }
0xab: {  	s23 =	sshrl.u32 s25, $0x3;
	s10 =	sadd.s32 $0xFFFFFC00, s25;
	p0 =	slt.u32 s24, $0x1F0;
	(v2sf) =	vpush v0, $0x6  }
0xac: {  	[spmem:s31], [sflag:s12] =	dma.local [hbm:s8], $0x10  }
0xad: {  	s5 =	sadd.s32 $0xFFFFFD00, s25;
	s21 =	sadd.s32 $0xFFFFF980, s25;
	s4 =	sadd.s32 $0xFFFFFE80, s25;
	(v2sf) =	vpush v0, $0x5  }
0xae: {  	[spmem:s29], [sflag:s12] =	dma.local [hbm:s7], $0x10  }
0xaf: {  	s18 =	sadd.s32 $0xFFFFFA80, s25;
	s1 =	sadd.s32 $0xFFFFFF80, s25;
	s20 =	sadd.s32 $0xFFFFF900, s25;
	(v2sf) =	vpush v0, $0x4  }
0xb0: {  	[spmem:s28], [sflag:s12] =	dma.local [hbm:s6], $0x10  }
0xb1: {  	s1 =	sshrl.u32 s1, $0x3;
	s19 =	sshrl.u32 s4, $0x3;
	s9 =	sadd.s32 $0xFFFFFC80, s25;
	(v2sf) =	vpush v0, $0x3  }
0xb2: {  	[spmem:s30], [sflag:s12] =	dma.local [hbm:s14], $0x10  }
0xb3: {  	s4 =	sshrl.u32 s9, $0x3;
	s2 =	sadd.s32 $0xFFFFFE00, s25;
	[dreg:$0xb] =	wrdreg s23  }
0xb4: {  	s2 =	sshrl.u32 s2, $0x3;
	s15 =	sadd.s32 $0xFFFFFB80, s25;
	[dreg:$0xc] =	wrdreg s1  }
0xb5: {  	s17 =	sadd.s32 $0xFFFFFA00, s25;
	s9 =	sshrl.u32 s15, $0x3;
	[dreg:$0xd] =	wrdreg s19  }
0xb6: {  	s15 =	sshrl.u32 s10, $0x3;
	s0 =	sadd.s32 $0xFFFFFF00, s25;
	[dreg:$0x4] =	wrdreg s2  }
0xb7: {  	s7 =	sadd.s32 $0xFFFFFD80, s25;
	s14 =	sadd.s32 $0xFFFFFB00, s25;
	[dreg:$0x7] =	wrdreg s4  }
0xb8: {  	s19 =	smov.u32 s12;
	s12 =	sshrl.u32 s0, $0x3;
	[dreg:$0x9] =	wrdreg s9  }
0xb9: {  	s1 =	sshrl.u32 s7, $0x3;
	s7 =	sshrl.u32 s5, $0x3;
	[dreg:$0x8] =	wrdreg s15;
	(v2sf) =	vpush v0, $0x2  }
0xba: {  	s0 =	sshrl.u32 s18, $0x3;
	s4 =	sshrl.u32 s21, $0x3;
	s6 =	spop (v2sf);
	(v2sf) =	vpush v0, $0x1  }
0xbb: {  	s5 =	sshrl.u32 s20, $0x3;
	[dreg:$0x5] =	wrdreg s1;
	s8 =	spop (v2sf);
	(v2sf) =	vpush v0, $0x0  }
0xbc: {  	[dreg:$0x6] =	wrdreg s7;
	s18 =	sshrl.u32 s14, $0x3;
	s11 =	spop (v2sf)  }
0xbd: {  	s1 =	sshrl.u32 s17, $0x3;
	[dreg:$0xa] =	wrdreg s18;
	s13 =	spop (v2sf)  }
0xbe: {  	s6 =	sand.u32 $0x1FFFFFF0, s6;
	s11 =	sand.u32 $0x1FFFFFF0, s11;
	s16 =	spop (v2sf)  }
0xbf: {  	s13 =	sand.u32 $0x1FFFFFF0, s13;
	s26 =	spop (v2sf);
	s31 =	sand.u32 $0x1FFFFFF0, s16  }
0xc0: {  	[dreg:$0xe] =	wrdreg s26;
	s23 =	spop (v2sf);
	s26 =	sadd.s32 $0xFFFFF880, s25  }
0xc1: {  	s28 =	spop (v2sf);
	s10 =	sshrl.u32 s26, $0x3;
	s26 =	sand.u32 $0x1FFFFFF0, s8  }
0xc2: {  	s16 =	sand.u32 $0x1FFFFFF0, s23;
	s23 =	rddreg [dreg:$0xe];
	s29 =	spop (v2sf)  }
0xc3: {  	s15 =	sand.u32 $0x1FFFFFF0, s28;
	s28 =	sand.u32 $0x1FFFFFF0, s23;
	s16 =	sadd.s32 s3, s16  }
0xc4: {  	s2 =	spop (v2sf);
	s17 =	sand.u32 $0x1FFFFFF0, s29;
	s29 =	smov.u32 s12  }
0xc5: {  	s12 =	smov.u32 s19;
	s7 =	spop (v2sf);
	s2 =	sand.u32 $0x1FFFFFF0, s2  }
0xc6: {  	s30 =	spop (v2sf);
	s9 =	sand.u32 $0x1FFFFFF0, s7;
	s7 =	sadd.s32 s3, s11  }
0xc7: {  	s11 =	sadd.s32 s3, s28;
	s28 =	rddreg [dreg:$0xc];
	s14 =	spop (v2sf)  }
.Ltmp1:
0xc8: {  	s19 =	sand.u32 $0x1FFFFFF0, s30;
	s18 =	spop (v2sf);
	(pc) =	sbr.rel @p0 .LBB2_4-.Ltmp1, $4  }
0xc9: {  	s30 =	rddreg [dreg:$0xb];
	s20 =	sand.u32 $0x1FFFFFF0, s14;
	s21 =	spop (v2sf)  }
0xca: {  	s14 =	sadd.s32 s3, s6;
	s6 =	sadd.s32 s3, s26;
	s8 =	spop (v2sf)  }
0xcb: {  	s18 =	sand.u32 $0x1FFFFFF0, s18;
	s21 =	sand.u32 $0x1FFFFFF0, s21;
	s23 =	sand.u32 $0x1FFFFFF0, s8  }
0xcc: {  	s8 =	sadd.s32 s3, s13;
	s13 =	sadd.s32 s3, s31;
	s31 =	rddreg [dreg:$0xd]  }
0xcd: {  	s22 =	sadd.s32 s3, s23;
	s25 =	sadd.s32 s3, s21  }
0xce: {  	[spmem:s10], [sflag:s12] =	dma.local [hbm:s22], $0x10  }
0xcf: {  	[spmem:s5], [sflag:s12] =	dma.local [hbm:s25], $0x10  }
0xd0: {  	s26 =	sadd.s32 s3, s18;
	s10 =	sadd.s32 s3, s19;
	s5 =	sadd.s32 s3, s20  }
0xd1: {  	[spmem:s4], [sflag:s12] =	dma.local [hbm:s26], $0x10  }
0xd2: {  	[spmem:s1], [sflag:s12] =	dma.local [hbm:s5], $0x10  }
0xd3: {  	[spmem:s0], [sflag:s12] =	dma.local [hbm:s10], $0x10  }
0xd4: {  	s18 =	sadd.s32 s3, s9;
	s1 =	rddreg [dreg:$0xa]  }
0xd5: {  	[spmem:s1], [sflag:s12] =	dma.local [hbm:s18], $0x10  }
0xd6: {  	s19 =	sadd.s32 s3, s2;
	s1 =	rddreg [dreg:$0x9]  }
0xd7: {  	[spmem:s1], [sflag:s12] =	dma.local [hbm:s19], $0x10  }
0xd8: {  	s20 =	sadd.s32 s3, s17;
	s1 =	rddreg [dreg:$0x8]  }
0xd9: {  	[spmem:s1], [sflag:s12] =	dma.local [hbm:s20], $0x10  }
0xda: {  	s21 =	sadd.s32 s3, s15;
	s1 =	rddreg [dreg:$0x7]  }
0xdb: {  	[spmem:s1], [sflag:s12] =	dma.local [hbm:s21], $0x10  }
0xdc: {  	s0 =	rddreg [dreg:$0x6]  }
0xdd: {  	[spmem:s0], [sflag:s12] =	dma.local [hbm:s16], $0x10  }
0xde: {  	s0 =	rddreg [dreg:$0x5]  }
0xdf: {  	[spmem:s0], [sflag:s12] =	dma.local [hbm:s11], $0x10  }
0xe0: {  	s22 =	simm.s32 $0x1;
	s0 =	rddreg [dreg:$0x4]  }
0xe1: {  	[spmem:s0], [sflag:s12] =	dma.local [hbm:s13], $0x10  }
0xe2: {  	[spmem:s31], [sflag:s12] =	dma.local [hbm:s8], $0x10  }
0xe3: {  	[spmem:s29], [sflag:s12] =	dma.local [hbm:s7], $0x10  }
0xe4: {  	[spmem:s28], [sflag:s12] =	dma.local [hbm:s6], $0x10  }
0xe5: {  	[spmem:s30], [sflag:s12] =	dma.local [hbm:s14], $0x10  }
0xe6: {  	_ =	swait.ge [sflag:s22], $0x8000  }
0xe7: {  	s24 =	simm.s32 $0x200;
	s4 =	simm.s32 $0x3;
	[sflag:s22] =	ssyncset.done $0x0  }
0xe8: {  	s11 =	simm.s32 $0x0;
	s23 =	rddreg [dreg:$0x11];
	[sflag:s22] =	ssyncadd.s32 $0xFFFF8000  }
0xe9: {  	[hbm4b:s23+s11] =	stream.linear.scatter [tilespmem:s24], [sflag:$0x3], $0x8000, $0x38;
	[tilespmem:$0xA200] =	vst v63  }
0xea: {  	_ =	swait.ge [sflag:s4], $0x8000  }
0xeb: {  	[sflag:s4] =	ssyncset.done $0x0  }
0xec: {  	s25 =	simm.s32 $0x2;
	[sflag:s4] =	ssyncadd.s32 $0xFFFF8000  }
0xed: {  	_ =	swait.ge [sflag:s25], $0x1000  }
0xee: {  	s26 =	rddreg [dreg:$0x15]  }
0xef: {  	s28 =	rddreg [dreg:$0x10]  }
0xf0: {  	[sflag:s25] =	ssyncset.done $0x0;
	s29 =	rddreg [dreg:$0x12]  }
0xf1: {  	[sflag:s25] =	ssyncadd.s32 $0xFFFFF000;
	s0 =	sor.u32 $0x1C03, s26;
	s1 =	sshrl.u32 s28, $0x3  }
0xf2: {  	[hbm:s29], [sflag:s0] =	dma.local [spmem:s1], $0x1000  }
0xf3: {  	_ =	swait.ge [sflag:s4], $0x1000  }
0xf4: {  	s30 =	rddreg [dreg:$0x16]  }
0xf5: {  	s31 =	rddreg [dreg:$0x13];
	s1 =	sadd.s32 $0x1, s30  }
0xf6: {  	p0 =	sne.s32 s1, s31  }
.Ltmp2:
0xf7: {  	_ = 	snop;
	(pc) =	sbr.rel @p0 .LBB2_1-.Ltmp2, $3  }
0xf8: {  	_ =	sdelay $0x1  }
0xf9: {  	[sflag:s4] =	ssyncset.done $0x0  }
0xfa: {  	[sflag:s4] =	ssyncadd.s32 $0xFFFFF000  }
0xfb: {  	_ =	sfence.sel $0x180000  }
0xfc: {  	[bflag:$0x0] =	sbarrier.arrive $0xFFFF  }
0xfd: {  	_ =	strace $0x90000047  }
0xfe: {  	s0 =	stileid.u32;
	[bflag:$0x2] =	sbarrier.arrive $0xFFFF  }
0xff: {  	p0 =	sne.s32 s0, $0x0;
	s0 =	rddreg [dreg:$0x3]  }
0x100: {  	s0 =	sadd.s32 @!p0 $0x100000, s0  }
0x101: {  	[sflag:s0] =	ssyncadd.tile.s32 @!p0 $0x1;
	_ =	shalt  }
.Lfunc_end2:
_tile_overlayer_lowered:
.L_overlay_start_2:
0x102: {  	(tag) =	ssettag $0x2  }
0x103: {  	s0 =	rddreg [dreg:$0x0];
	s2 =	stileid.u32  }
0x104: {  	s1 =	rddreg [dreg:$0x1];
	p0 =	sne.s32 s2, $0x0  }
0x105: {  	s3 =	rddreg [dreg:$0x2];
	[bflag:$0x3] =	sbarrier.arrive $0xFFFF;
	s2 =	simm.s32 @!p0 $0x1C03  }
0x106: {  	[timem:s3], [sflag:s2] =	dma.local @!p0 [hbm:s0], s1  }
0x107: {  	s0 =	simm.s32 @!p0 $0x3  }
0x108: {  	_ =	swait.ge @!p0 [sflag:s0], s1  }
0x109: {  	s1 =	ssub.s32 @!p0 $0x0, s1;
	[sflag:s0] =	ssyncset.done @!p0 $0x0  }
0x10a: {  	[sflag:s0] =	ssyncadd.s32 @!p0 s1  }
0x10b: {  	[bflag:$0x3] =	sbarrier.arrive $0xFFFF  }
0x10c: {  	_ =	shalt  }

</sc_bundles>
